<compile_context>
chip_gen: v7x
topology: tpu7x:2x2x1
jax: 0.10.2.dev20260603
libtpu: 0.0.44.dev20260713+nightly
codegen_flags: <defaults>
</compile_context>

<pallas_src>
import functools

import jax
import jax.numpy as jnp
from jax import lax
from jax.experimental import pallas as pl
from jax.experimental.pallas import tpu as pltpu
from jax.experimental.pallas import tpu_sc as plsc

B = 1024
L = 20
LP = 24
T = 26
D = 64
TD = T * D
LANES = 16
NCHUNK = TD // LANES

NC = 2
NS = 16
NW = NC * NS
BW = B // NW


def _pool(rows_v, orow_v):

    def chunk_body(c, carry):
        for u in range(2):
            col = pl.ds((2 * c + u) * LANES, LANES)
            vals = [rows_v[r, col] for r in range(L)]
            while len(vals) > 1:
                nxt = [vals[i] + vals[i + 1] for i in range(0, len(vals) - 1, 2)]
                if len(vals) % 2:
                    nxt.append(vals[-1])
                vals = nxt
            orow_v[col] = vals[0]
        return carry

    lax.fori_loop(0, NCHUNK // 2, chunk_body, 0)


@functools.lru_cache(maxsize=1)
def _build():
    mesh = plsc.VectorSubcoreMesh(core_axis_name="c", subcore_axis_name="s")

    @functools.partial(
        pl.kernel,
        mesh=mesh,
        out_type=jax.ShapeDtypeStruct((B, TD), jnp.float32),
        scratch_types=[
            pltpu.VMEM((BW, LP), jnp.int32),
            pltpu.VMEM((LP, TD), jnp.float32),
            pltpu.VMEM((LP, TD), jnp.float32),
            pltpu.VMEM((TD,), jnp.float32),
            pltpu.VMEM((TD,), jnp.float32),
            pltpu.SemaphoreType.DMA,
            pltpu.SemaphoreType.DMA,
            pltpu.SemaphoreType.DMA,
            pltpu.SemaphoreType.DMA,
        ],
    )
    def emb_bag(tbl_hbm, idx_hbm, out_hbm, idx_v, rows0, rows1, orow0, orow1,
                gsem0, gsem1, osem0, osem1):
        wid = lax.axis_index("s") * NC + lax.axis_index("c")
        base = wid * BW
        pltpu.sync_copy(idx_hbm.at[pl.ds(base, BW)], idx_v)

        rows = (rows0, rows1)
        orow = (orow0, orow1)
        gsem = (gsem0, gsem1)
        osem = (osem0, osem1)

        def gather(b, buf):
            pltpu.async_copy(tbl_hbm.at[idx_v.at[b]], rows[buf], gsem[buf])

        gather(0, 0)

        def pair_body(p, carry):
            for ph in range(2):
                b = 2 * p + ph

                @pl.when(b + 1 < BW)
                def _():
                    gather(b + 1, 1 - ph)

                pltpu.make_async_copy(tbl_hbm.at[idx_v.at[b]],
                                      rows[ph], gsem[ph]).wait()

                @pl.when(p > 0)
                def _():
                    pltpu.make_async_copy(orow[ph], out_hbm.at[base],
                                          osem[ph]).wait()

                _pool(rows[ph], orow[ph])
                pltpu.async_copy(orow[ph], out_hbm.at[base + b], osem[ph])
            return carry

        lax.fori_loop(0, BW // 2, pair_body, 0)
        pltpu.make_async_copy(orow0, out_hbm.at[base], osem0).wait()
        pltpu.make_async_copy(orow1, out_hbm.at[base], osem1).wait()

    return emb_bag


def kernel(weights, sharded_sparse_features, sharded_offsets):
    del sharded_offsets
    E = weights.shape[0]
    tbl = weights.reshape(E, TD)
    idx = sharded_sparse_features.reshape(B, L)
    idx_pad = jnp.pad(idx, ((0, 0), (0, LP - L)))
    out = _build()(tbl, idx_pad)
    return out.reshape(B, T, D)

# --- scband reference (transcript-rebuilt; emitter-appended) ---
"""Pipeline reference for scband-uniform-sharded-embedding-bags-35673998360772 (READ-ONLY COPY).

The authoritative reference and input builder live on the scoring server;
editing this copy changes nothing except your own understanding.
"""

import jax, jax.numpy as jnp
import numpy as np

B = 1024       # bags (batch)
L = 20         # pooling factor per bag
E = 100000     # num_embeddings
T = 26         # num_tables
D = 64         # embedding_dim


def setup_inputs(seed: int = 0) -> dict:
    key = jax.random.key(seed)
    k1, k2 = jax.random.split(key)
    indices = jax.random.randint(k1, (B * L,), 0, E, dtype=jnp.int32)
    offsets = (jnp.arange(B + 1) * L).astype(jnp.int32)
    # learned parameter: multi-table embedding weights [E, T, D]
    weights = jax.random.normal(k2, (E, T, D), dtype=jnp.float32) * 0.01
    return {"weights": weights, "sharded_sparse_features": indices, "sharded_offsets": offsets}


def reference(weights, sharded_sparse_features, sharded_offsets):
    # sparse_offset_forward: embedding-bag sum pooling over bags defined by offsets.
    # Each index row gathers [T, D] (all tables at once); bag b pools rows
    # indices[offsets[b]:offsets[b+1]] by summation -> output [B, T, D].
    indices = sharded_sparse_features
    offsets = sharded_offsets
    total = indices.shape[0]
    num_bags = offsets.shape[0] - 1
    # segment id for each flat index position
    seg = jnp.searchsorted(offsets, jnp.arange(total, dtype=offsets.dtype), side='right') - 1
    seg = jnp.clip(seg, 0, num_bags - 1)
    gathered = jnp.take(weights, indices, axis=0)           # [total, T, D]
    out = jax.ops.segment_sum(gathered, seg, num_segments=num_bags)  # [B, T, D]
    return out

if __name__ == "__main__":
    import jax
    _d = setup_inputs()
    print(jax.jit(kernel)(*tuple(_d.values())))

</pallas_src>

<mosaic_0001>
#map = affine_map<(d0, d1) -> (0, 0)>
module attributes {stable_mosaic.version = 14 : i64} {
  func.func @emb_bag(%arg0: i32, %arg1: i32, %arg2: memref<100000x1664xf32, #tpu.memory_space<hbm>>, %arg3: memref<1024x24xi32, #tpu.memory_space<hbm>>, %arg4: memref<1024x1664xf32, #tpu.memory_space<hbm>>, %arg5: memref<32x24xi32, #tpu.memory_space<vmem>>, %arg6: memref<24x1664xf32, #tpu.memory_space<vmem>>, %arg7: memref<24x1664xf32, #tpu.memory_space<vmem>>, %arg8: memref<1664xf32, #tpu.memory_space<vmem>>, %arg9: memref<1664xf32, #tpu.memory_space<vmem>>, %arg10: memref<!tpu.dma_semaphore, #tpu.memory_space<semaphore_mem>>, %arg11: memref<!tpu.dma_semaphore, #tpu.memory_space<semaphore_mem>>, %arg12: memref<!tpu.dma_semaphore, #tpu.memory_space<semaphore_mem>>, %arg13: memref<!tpu.dma_semaphore, #tpu.memory_space<semaphore_mem>>) attributes {dimension_semantics = [#tpu.dimension_semantics<core_parallel>, #tpu.dimension_semantics<subcore_parallel>], iteration_bounds = array<i64: 2, 16>, scalar_prefetch = 0 : i64, scratch_operands = 9 : i64, tpu.core_type = #tpu.core_type<sc_vector_subcore>, window_params = [{transform_indices = #map}, {transform_indices = #map}, {transform_indices = #map}]} {
    %mul3A = arith.constant 2 : i32
    %mul3A_0 = arith.muli %arg1, %mul3A : i32
    %add3A = arith.addi %mul3A_0, %arg0 : i32
    %mul3A_1 = arith.constant 32 : i32
    %mul3A_2 = arith.muli %add3A, %mul3A_1 : i32
    "tpu.region"() ({
      %run_scoped3A = tpu.sem_alloc : memref<!tpu.dma_semaphore, #tpu.memory_space<semaphore_mem>>
      %dma_start3A_25 = arith.constant 0 : i32
      %dma_start3A_26 = tpu.memref_slice %arg3[%mul3A_2, %dma_start3A_25] : memref<1024x24xi32, #tpu.memory_space<hbm>> -> memref<32x24xi32, #tpu.memory_space<hbm>>
      %dma_start3A_27 = arith.constant 0 : i32
      %dma_start3A_28 = tpu.memref_slice %arg3[%mul3A_2, %dma_start3A_27] : memref<1024x24xi32, #tpu.memory_space<hbm>> -> memref<32x24xi32, #tpu.memory_space<hbm>>
      tpu.enqueue_dma source(%dma_start3A_28 : memref<32x24xi32, #tpu.memory_space<hbm>>) target(%arg5 : memref<32x24xi32, #tpu.memory_space<vmem>>) target_semaphore(%run_scoped3A : memref<!tpu.dma_semaphore, #tpu.memory_space<semaphore_mem>>)
      %dma_wait3A_29 = arith.constant 0 : i32
      %dma_wait3A_30 = tpu.memref_slice %arg3[%mul3A_2, %dma_wait3A_29] : memref<1024x24xi32, #tpu.memory_space<hbm>> -> memref<32x24xi32, #tpu.memory_space<hbm>>
      %dma_wait3A_31 = arith.constant 0 : i32
      %dma_wait3A_32 = tpu.memref_slice %arg3[%mul3A_2, %dma_wait3A_31] : memref<1024x24xi32, #tpu.memory_space<hbm>> -> memref<32x24xi32, #tpu.memory_space<hbm>>
      tpu.wait_dma2 semaphore(%run_scoped3A : memref<!tpu.dma_semaphore, #tpu.memory_space<semaphore_mem>>) src(%dma_wait3A_32 : memref<32x24xi32, #tpu.memory_space<hbm>>) dst(%arg5 : memref<32x24xi32, #tpu.memory_space<vmem>>)
      tpu.yield
    }) : () -> ()
    %dma_start3A = arith.constant 0 : i32
    %dma_start3A_3 = arith.constant 0 : i32
    %dma_start3A_4 = tpu.memref_slice %arg5[%dma_start3A, %dma_start3A_3] : memref<32x24xi32, #tpu.memory_space<vmem>> -> memref<1x24xi32, #tpu.memory_space<vmem>>
    %dma_start3A_5 = tpu.memref_squeeze %dma_start3A_4 : memref<1x24xi32, #tpu.memory_space<vmem>> -> memref<24xi32, #tpu.memory_space<vmem>>
    %dma_start3A_6 = arith.constant 0 : i32
    %dma_start3A_7 = arith.constant 0 : i32
    %dma_start3A_8 = tpu.memref_slice %arg2[%dma_start3A_6, %dma_start3A_7] : memref<100000x1664xf32, #tpu.memory_space<hbm>> -> memref<100000x1664xf32, #tpu.memory_space<hbm>>
    tpu.enqueue_indirect_dma source(%dma_start3A_8 : memref<100000x1664xf32, #tpu.memory_space<hbm>>) target(%arg6 : memref<24x1664xf32, #tpu.memory_space<vmem>>) offsets(%dma_start3A_5 : memref<24xi32, #tpu.memory_space<vmem>>) semaphore(%arg10 : memref<!tpu.dma_semaphore, #tpu.memory_space<semaphore_mem>>)
    %scan3A = arith.constant 0 : i32
    %scan3A_9 = arith.constant 0 : i32
    %scan3A_10 = arith.constant 16 : i32
    %scan3A_11 = arith.addi %scan3A_9, %scan3A_10 : i32
    %scan3A_12 = arith.constant 1 : i32
    scf.for %scan3A_25 = %scan3A_9 to %scan3A_11 step %scan3A_12  : i32 {
      %mul3A_26 = arith.constant 2 : i32
      %mul3A_27 = arith.muli %mul3A_26, %scan3A_25 : i32
      %add3A_28 = arith.constant 0 : i32
      %add3A_29 = arith.addi %mul3A_27, %add3A_28 : i32
      %add3A_30 = arith.constant 1 : i32
      %add3A_31 = arith.addi %add3A_29, %add3A_30 : i32
      %lt3A = arith.constant 32 : i32
      %lt3A_32 = arith.cmpi slt, %add3A_31, %lt3A : i32
      %convert_element_type3A = arith.extui %lt3A_32 : i1 to i32
      %cond3A = arith.constant 0 : i32
      %cond3A_33 = arith.cmpi ne, %convert_element_type3A, %cond3A : i32
      scf.if %cond3A_33 {
        %add3A_92 = arith.constant 1 : i32
        %add3A_93 = arith.addi %add3A_29, %add3A_92 : i32
        %dma_start3A_94 = arith.constant 0 : i32
        %dma_start3A_95 = tpu.memref_slice %arg5[%add3A_93, %dma_start3A_94] : memref<32x24xi32, #tpu.memory_space<vmem>> -> memref<1x24xi32, #tpu.memory_space<vmem>>
        %dma_start3A_96 = tpu.memref_squeeze %dma_start3A_95 : memref<1x24xi32, #tpu.memory_space<vmem>> -> memref<24xi32, #tpu.memory_space<vmem>>
        %dma_start3A_97 = arith.constant 0 : i32
        %dma_start3A_98 = arith.constant 0 : i32
        %dma_start3A_99 = tpu.memref_slice %arg2[%dma_start3A_97, %dma_start3A_98] : memref<100000x1664xf32, #tpu.memory_space<hbm>> -> memref<100000x1664xf32, #tpu.memory_space<hbm>>
        tpu.enqueue_indirect_dma source(%dma_start3A_99 : memref<100000x1664xf32, #tpu.memory_space<hbm>>) target(%arg7 : memref<24x1664xf32, #tpu.memory_space<vmem>>) offsets(%dma_start3A_96 : memref<24xi32, #tpu.memory_space<vmem>>) semaphore(%arg11 : memref<!tpu.dma_semaphore, #tpu.memory_space<semaphore_mem>>)
      } else {
      }
      %dma_wait3A_34 = arith.constant 0 : i32
      %dma_wait3A_35 = tpu.memref_slice %arg5[%add3A_29, %dma_wait3A_34] : memref<32x24xi32, #tpu.memory_space<vmem>> -> memref<1x24xi32, #tpu.memory_space<vmem>>
      %dma_wait3A_36 = tpu.memref_squeeze %dma_wait3A_35 : memref<1x24xi32, #tpu.memory_space<vmem>> -> memref<24xi32, #tpu.memory_space<vmem>>
      %dma_wait3A_37 = arith.constant 0 : i32
      %dma_wait3A_38 = arith.constant 0 : i32
      %dma_wait3A_39 = tpu.memref_slice %arg2[%dma_wait3A_37, %dma_wait3A_38] : memref<100000x1664xf32, #tpu.memory_space<hbm>> -> memref<100000x1664xf32, #tpu.memory_space<hbm>>
      tpu.wait_indirect_dma semaphore(%arg10 : memref<!tpu.dma_semaphore, #tpu.memory_space<semaphore_mem>>) src(%dma_wait3A_39 : memref<100000x1664xf32, #tpu.memory_space<hbm>>) dst(%arg6 : memref<24x1664xf32, #tpu.memory_space<vmem>>)
      %gt3A = arith.constant 0 : i32
      %gt3A_40 = arith.cmpi sgt, %scan3A_25, %gt3A : i32
      %convert_element_type3A_41 = arith.extui %gt3A_40 : i1 to i32
      %cond3A_42 = arith.constant 0 : i32
      %cond3A_43 = arith.cmpi ne, %convert_element_type3A_41, %cond3A_42 : i32
      scf.if %cond3A_43 {
        %dma_wait3A_92 = arith.constant 0 : i32
        %dma_wait3A_93 = tpu.memref_slice %arg4[%mul3A_2, %dma_wait3A_92] : memref<1024x1664xf32, #tpu.memory_space<hbm>> -> memref<1x1664xf32, #tpu.memory_space<hbm>>
        %dma_wait3A_94 = tpu.memref_squeeze %dma_wait3A_93 : memref<1x1664xf32, #tpu.memory_space<hbm>> -> memref<1664xf32, #tpu.memory_space<hbm>>
        %dma_wait3A_95 = arith.constant 0 : i32
        %dma_wait3A_96 = tpu.memref_slice %arg4[%mul3A_2, %dma_wait3A_95] : memref<1024x1664xf32, #tpu.memory_space<hbm>> -> memref<1x1664xf32, #tpu.memory_space<hbm>>
        %dma_wait3A_97 = tpu.memref_squeeze %dma_wait3A_96 : memref<1x1664xf32, #tpu.memory_space<hbm>> -> memref<1664xf32, #tpu.memory_space<hbm>>
        tpu.wait_dma2 semaphore(%arg12 : memref<!tpu.dma_semaphore, #tpu.memory_space<semaphore_mem>>) src(%arg8 : memref<1664xf32, #tpu.memory_space<vmem>>) dst(%dma_wait3A_97 : memref<1664xf32, #tpu.memory_space<hbm>>)
      } else {
      }
      %scan3A_44 = arith.constant 0 : i32
      %scan3A_45 = arith.constant 0 : i32
      %scan3A_46 = arith.constant 52 : i32
      %scan3A_47 = arith.addi %scan3A_45, %scan3A_46 : i32
      %scan3A_48 = arith.constant 1 : i32
      scf.for %scan3A_92 = %scan3A_45 to %scan3A_47 step %scan3A_48  : i32 {
        %mul3A_93 = arith.constant 2 : i32
        %mul3A_94 = arith.muli %mul3A_93, %scan3A_92 : i32
        %add3A_95 = arith.constant 0 : i32
        %add3A_96 = arith.addi %mul3A_94, %add3A_95 : i32
        %mul3A_97 = arith.constant 16 : i32
        %mul3A_98 = arith.muli %add3A_96, %mul3A_97 : i32
        %get3A = arith.constant 0 : i32
        %get3A_99 = arith.index_cast %get3A : i32 to index
        %get3A_100 = arith.index_cast %mul3A_98 : i32 to index
        %get3A_101 = tpu.vector_load %arg6[%get3A_99, %get3A_100] {strides = array<i32>} : memref<24x1664xf32, #tpu.memory_space<vmem>>, vector<1x16xf32>,
        %get3A_102 = vector.shape_cast %get3A_101 : vector<1x16xf32> to vector<16xf32>
        %get3A_103 = arith.constant 1 : i32
        %get3A_104 = arith.index_cast %get3A_103 : i32 to index
        %get3A_105 = arith.index_cast %mul3A_98 : i32 to index
        %get3A_106 = tpu.vector_load %arg6[%get3A_104, %get3A_105] {strides = array<i32>} : memref<24x1664xf32, #tpu.memory_space<vmem>>, vector<1x16xf32>,
        %get3A_107 = vector.shape_cast %get3A_106 : vector<1x16xf32> to vector<16xf32>
        %get3A_108 = arith.constant 2 : i32
        %get3A_109 = arith.index_cast %get3A_108 : i32 to index
        %get3A_110 = arith.index_cast %mul3A_98 : i32 to index
        %get3A_111 = tpu.vector_load %arg6[%get3A_109, %get3A_110] {strides = array<i32>} : memref<24x1664xf32, #tpu.memory_space<vmem>>, vector<1x16xf32>,
        %get3A_112 = vector.shape_cast %get3A_111 : vector<1x16xf32> to vector<16xf32>
        %get3A_113 = arith.constant 3 : i32
        %get3A_114 = arith.index_cast %get3A_113 : i32 to index
        %get3A_115 = arith.index_cast %mul3A_98 : i32 to index
        %get3A_116 = tpu.vector_load %arg6[%get3A_114, %get3A_115] {strides = array<i32>} : memref<24x1664xf32, #tpu.memory_space<vmem>>, vector<1x16xf32>,
        %get3A_117 = vector.shape_cast %get3A_116 : vector<1x16xf32> to vector<16xf32>
        %get3A_118 = arith.constant 4 : i32
        %get3A_119 = arith.index_cast %get3A_118 : i32 to index
        %get3A_120 = arith.index_cast %mul3A_98 : i32 to index
        %get3A_121 = tpu.vector_load %arg6[%get3A_119, %get3A_120] {strides = array<i32>} : memref<24x1664xf32, #tpu.memory_space<vmem>>, vector<1x16xf32>,
        %get3A_122 = vector.shape_cast %get3A_121 : vector<1x16xf32> to vector<16xf32>
        %get3A_123 = arith.constant 5 : i32
        %get3A_124 = arith.index_cast %get3A_123 : i32 to index
        %get3A_125 = arith.index_cast %mul3A_98 : i32 to index
        %get3A_126 = tpu.vector_load %arg6[%get3A_124, %get3A_125] {strides = array<i32>} : memref<24x1664xf32, #tpu.memory_space<vmem>>, vector<1x16xf32>,
        %get3A_127 = vector.shape_cast %get3A_126 : vector<1x16xf32> to vector<16xf32>
        %get3A_128 = arith.constant 6 : i32
        %get3A_129 = arith.index_cast %get3A_128 : i32 to index
        %get3A_130 = arith.index_cast %mul3A_98 : i32 to index
        %get3A_131 = tpu.vector_load %arg6[%get3A_129, %get3A_130] {strides = array<i32>} : memref<24x1664xf32, #tpu.memory_space<vmem>>, vector<1x16xf32>,
        %get3A_132 = vector.shape_cast %get3A_131 : vector<1x16xf32> to vector<16xf32>
        %get3A_133 = arith.constant 7 : i32
        %get3A_134 = arith.index_cast %get3A_133 : i32 to index
        %get3A_135 = arith.index_cast %mul3A_98 : i32 to index
        %get3A_136 = tpu.vector_load %arg6[%get3A_134, %get3A_135] {strides = array<i32>} : memref<24x1664xf32, #tpu.memory_space<vmem>>, vector<1x16xf32>,
        %get3A_137 = vector.shape_cast %get3A_136 : vector<1x16xf32> to vector<16xf32>
        %get3A_138 = arith.constant 8 : i32
        %get3A_139 = arith.index_cast %get3A_138 : i32 to index
        %get3A_140 = arith.index_cast %mul3A_98 : i32 to index
        %get3A_141 = tpu.vector_load %arg6[%get3A_139, %get3A_140] {strides = array<i32>} : memref<24x1664xf32, #tpu.memory_space<vmem>>, vector<1x16xf32>,
        %get3A_142 = vector.shape_cast %get3A_141 : vector<1x16xf32> to vector<16xf32>
        %get3A_143 = arith.constant 9 : i32
        %get3A_144 = arith.index_cast %get3A_143 : i32 to index
        %get3A_145 = arith.index_cast %mul3A_98 : i32 to index
        %get3A_146 = tpu.vector_load %arg6[%get3A_144, %get3A_145] {strides = array<i32>} : memref<24x1664xf32, #tpu.memory_space<vmem>>, vector<1x16xf32>,
        %get3A_147 = vector.shape_cast %get3A_146 : vector<1x16xf32> to vector<16xf32>
        %get3A_148 = arith.constant 10 : i32
        %get3A_149 = arith.index_cast %get3A_148 : i32 to index
        %get3A_150 = arith.index_cast %mul3A_98 : i32 to index
        %get3A_151 = tpu.vector_load %arg6[%get3A_149, %get3A_150] {strides = array<i32>} : memref<24x1664xf32, #tpu.memory_space<vmem>>, vector<1x16xf32>,
        %get3A_152 = vector.shape_cast %get3A_151 : vector<1x16xf32> to vector<16xf32>
        %get3A_153 = arith.constant 11 : i32
        %get3A_154 = arith.index_cast %get3A_153 : i32 to index
        %get3A_155 = arith.index_cast %mul3A_98 : i32 to index
        %get3A_156 = tpu.vector_load %arg6[%get3A_154, %get3A_155] {strides = array<i32>} : memref<24x1664xf32, #tpu.memory_space<vmem>>, vector<1x16xf32>,
        %get3A_157 = vector.shape_cast %get3A_156 : vector<1x16xf32> to vector<16xf32>
        %get3A_158 = arith.constant 12 : i32
        %get3A_159 = arith.index_cast %get3A_158 : i32 to index
        %get3A_160 = arith.index_cast %mul3A_98 : i32 to index
        %get3A_161 = tpu.vector_load %arg6[%get3A_159, %get3A_160] {strides = array<i32>} : memref<24x1664xf32, #tpu.memory_space<vmem>>, vector<1x16xf32>,
        %get3A_162 = vector.shape_cast %get3A_161 : vector<1x16xf32> to vector<16xf32>
        %get3A_163 = arith.constant 13 : i32
        %get3A_164 = arith.index_cast %get3A_163 : i32 to index
        %get3A_165 = arith.index_cast %mul3A_98 : i32 to index
        %get3A_166 = tpu.vector_load %arg6[%get3A_164, %get3A_165] {strides = array<i32>} : memref<24x1664xf32, #tpu.memory_space<vmem>>, vector<1x16xf32>,
        %get3A_167 = vector.shape_cast %get3A_166 : vector<1x16xf32> to vector<16xf32>
        %get3A_168 = arith.constant 14 : i32
        %get3A_169 = arith.index_cast %get3A_168 : i32 to index
        %get3A_170 = arith.index_cast %mul3A_98 : i32 to index
        %get3A_171 = tpu.vector_load %arg6[%get3A_169, %get3A_170] {strides = array<i32>} : memref<24x1664xf32, #tpu.memory_space<vmem>>, vector<1x16xf32>,
        %get3A_172 = vector.shape_cast %get3A_171 : vector<1x16xf32> to vector<16xf32>
        %get3A_173 = arith.constant 15 : i32
        %get3A_174 = arith.index_cast %get3A_173 : i32 to index
        %get3A_175 = arith.index_cast %mul3A_98 : i32 to index
        %get3A_176 = tpu.vector_load %arg6[%get3A_174, %get3A_175] {strides = array<i32>} : memref<24x1664xf32, #tpu.memory_space<vmem>>, vector<1x16xf32>,
        %get3A_177 = vector.shape_cast %get3A_176 : vector<1x16xf32> to vector<16xf32>
        %get3A_178 = arith.constant 16 : i32
        %get3A_179 = arith.index_cast %get3A_178 : i32 to index
        %get3A_180 = arith.index_cast %mul3A_98 : i32 to index
        %get3A_181 = tpu.vector_load %arg6[%get3A_179, %get3A_180] {strides = array<i32>} : memref<24x1664xf32, #tpu.memory_space<vmem>>, vector<1x16xf32>,
        %get3A_182 = vector.shape_cast %get3A_181 : vector<1x16xf32> to vector<16xf32>
        %get3A_183 = arith.constant 17 : i32
        %get3A_184 = arith.index_cast %get3A_183 : i32 to index
        %get3A_185 = arith.index_cast %mul3A_98 : i32 to index
        %get3A_186 = tpu.vector_load %arg6[%get3A_184, %get3A_185] {strides = array<i32>} : memref<24x1664xf32, #tpu.memory_space<vmem>>, vector<1x16xf32>,
        %get3A_187 = vector.shape_cast %get3A_186 : vector<1x16xf32> to vector<16xf32>
        %get3A_188 = arith.constant 18 : i32
        %get3A_189 = arith.index_cast %get3A_188 : i32 to index
        %get3A_190 = arith.index_cast %mul3A_98 : i32 to index
        %get3A_191 = tpu.vector_load %arg6[%get3A_189, %get3A_190] {strides = array<i32>} : memref<24x1664xf32, #tpu.memory_space<vmem>>, vector<1x16xf32>,
        %get3A_192 = vector.shape_cast %get3A_191 : vector<1x16xf32> to vector<16xf32>
        %get3A_193 = arith.constant 19 : i32
        %get3A_194 = arith.index_cast %get3A_193 : i32 to index
        %get3A_195 = arith.index_cast %mul3A_98 : i32 to index
        %get3A_196 = tpu.vector_load %arg6[%get3A_194, %get3A_195] {strides = array<i32>} : memref<24x1664xf32, #tpu.memory_space<vmem>>, vector<1x16xf32>,
        %get3A_197 = vector.shape_cast %get3A_196 : vector<1x16xf32> to vector<16xf32>
        %add3A_198 = arith.addf %get3A_102, %get3A_107 : vector<16xf32>
        %add3A_199 = arith.addf %get3A_112, %get3A_117 : vector<16xf32>
        %add3A_200 = arith.addf %get3A_122, %get3A_127 : vector<16xf32>
        %add3A_201 = arith.addf %get3A_132, %get3A_137 : vector<16xf32>
        %add3A_202 = arith.addf %get3A_142, %get3A_147 : vector<16xf32>
        %add3A_203 = arith.addf %get3A_152, %get3A_157 : vector<16xf32>
        %add3A_204 = arith.addf %get3A_162, %get3A_167 : vector<16xf32>
        %add3A_205 = arith.addf %get3A_172, %get3A_177 : vector<16xf32>
        %add3A_206 = arith.addf %get3A_182, %get3A_187 : vector<16xf32>
        %add3A_207 = arith.addf %get3A_192, %get3A_197 : vector<16xf32>
        %add3A_208 = arith.addf %add3A_198, %add3A_199 : vector<16xf32>
        %add3A_209 = arith.addf %add3A_200, %add3A_201 : vector<16xf32>
        %add3A_210 = arith.addf %add3A_202, %add3A_203 : vector<16xf32>
        %add3A_211 = arith.addf %add3A_204, %add3A_205 : vector<16xf32>
        %add3A_212 = arith.addf %add3A_206, %add3A_207 : vector<16xf32>
        %add3A_213 = arith.addf %add3A_208, %add3A_209 : vector<16xf32>
        %add3A_214 = arith.addf %add3A_210, %add3A_211 : vector<16xf32>
        %add3A_215 = arith.addf %add3A_213, %add3A_214 : vector<16xf32>
        %add3A_216 = arith.addf %add3A_215, %add3A_212 : vector<16xf32>
        %swap3A = arith.index_cast %mul3A_98 : i32 to index
        %swap3A_217 = tpu.vector_load %arg8[%swap3A] {strides = array<i32>} : memref<1664xf32, #tpu.memory_space<vmem>>, vector<16xf32>,
        %swap3A_218 = vector.shape_cast %swap3A_217 : vector<16xf32> to vector<16xf32>
        %swap3A_219 = vector.shape_cast %add3A_216 : vector<16xf32> to vector<16xf32>
        tpu.vector_store %arg8[%swap3A], %swap3A_219 {strides = array<i32>} : memref<1664xf32, #tpu.memory_space<vmem>>, vector<16xf32>,
        %mul3A_220 = arith.constant 2 : i32
        %mul3A_221 = arith.muli %mul3A_220, %scan3A_92 : i32
        %add3A_222 = arith.constant 1 : i32
        %add3A_223 = arith.addi %mul3A_221, %add3A_222 : i32
        %mul3A_224 = arith.constant 16 : i32
        %mul3A_225 = arith.muli %add3A_223, %mul3A_224 : i32
        %get3A_226 = arith.constant 0 : i32
        %get3A_227 = arith.index_cast %get3A_226 : i32 to index
        %get3A_228 = arith.index_cast %mul3A_225 : i32 to index
        %get3A_229 = tpu.vector_load %arg6[%get3A_227, %get3A_228] {strides = array<i32>} : memref<24x1664xf32, #tpu.memory_space<vmem>>, vector<1x16xf32>,
        %get3A_230 = vector.shape_cast %get3A_229 : vector<1x16xf32> to vector<16xf32>
        %get3A_231 = arith.constant 1 : i32
        %get3A_232 = arith.index_cast %get3A_231 : i32 to index
        %get3A_233 = arith.index_cast %mul3A_225 : i32 to index
        %get3A_234 = tpu.vector_load %arg6[%get3A_232, %get3A_233] {strides = array<i32>} : memref<24x1664xf32, #tpu.memory_space<vmem>>, vector<1x16xf32>,
        %get3A_235 = vector.shape_cast %get3A_234 : vector<1x16xf32> to vector<16xf32>
        %get3A_236 = arith.constant 2 : i32
        %get3A_237 = arith.index_cast %get3A_236 : i32 to index
        %get3A_238 = arith.index_cast %mul3A_225 : i32 to index
        %get3A_239 = tpu.vector_load %arg6[%get3A_237, %get3A_238] {strides = array<i32>} : memref<24x1664xf32, #tpu.memory_space<vmem>>, vector<1x16xf32>,
        %get3A_240 = vector.shape_cast %get3A_239 : vector<1x16xf32> to vector<16xf32>
        %get3A_241 = arith.constant 3 : i32
        %get3A_242 = arith.index_cast %get3A_241 : i32 to index
        %get3A_243 = arith.index_cast %mul3A_225 : i32 to index
        %get3A_244 = tpu.vector_load %arg6[%get3A_242, %get3A_243] {strides = array<i32>} : memref<24x1664xf32, #tpu.memory_space<vmem>>, vector<1x16xf32>,
        %get3A_245 = vector.shape_cast %get3A_244 : vector<1x16xf32> to vector<16xf32>
        %get3A_246 = arith.constant 4 : i32
        %get3A_247 = arith.index_cast %get3A_246 : i32 to index
        %get3A_248 = arith.index_cast %mul3A_225 : i32 to index
        %get3A_249 = tpu.vector_load %arg6[%get3A_247, %get3A_248] {strides = array<i32>} : memref<24x1664xf32, #tpu.memory_space<vmem>>, vector<1x16xf32>,
        %get3A_250 = vector.shape_cast %get3A_249 : vector<1x16xf32> to vector<16xf32>
        %get3A_251 = arith.constant 5 : i32
        %get3A_252 = arith.index_cast %get3A_251 : i32 to index
        %get3A_253 = arith.index_cast %mul3A_225 : i32 to index
        %get3A_254 = tpu.vector_load %arg6[%get3A_252, %get3A_253] {strides = array<i32>} : memref<24x1664xf32, #tpu.memory_space<vmem>>, vector<1x16xf32>,
        %get3A_255 = vector.shape_cast %get3A_254 : vector<1x16xf32> to vector<16xf32>
        %get3A_256 = arith.constant 6 : i32
        %get3A_257 = arith.index_cast %get3A_256 : i32 to index
        %get3A_258 = arith.index_cast %mul3A_225 : i32 to index
        %get3A_259 = tpu.vector_load %arg6[%get3A_257, %get3A_258] {strides = array<i32>} : memref<24x1664xf32, #tpu.memory_space<vmem>>, vector<1x16xf32>,
        %get3A_260 = vector.shape_cast %get3A_259 : vector<1x16xf32> to vector<16xf32>
        %get3A_261 = arith.constant 7 : i32
        %get3A_262 = arith.index_cast %get3A_261 : i32 to index
        %get3A_263 = arith.index_cast %mul3A_225 : i32 to index
        %get3A_264 = tpu.vector_load %arg6[%get3A_262, %get3A_263] {strides = array<i32>} : memref<24x1664xf32, #tpu.memory_space<vmem>>, vector<1x16xf32>,
        %get3A_265 = vector.shape_cast %get3A_264 : vector<1x16xf32> to vector<16xf32>
        %get3A_266 = arith.constant 8 : i32
        %get3A_267 = arith.index_cast %get3A_266 : i32 to index
        %get3A_268 = arith.index_cast %mul3A_225 : i32 to index
        %get3A_269 = tpu.vector_load %arg6[%get3A_267, %get3A_268] {strides = array<i32>} : memref<24x1664xf32, #tpu.memory_space<vmem>>, vector<1x16xf32>,
        %get3A_270 = vector.shape_cast %get3A_269 : vector<1x16xf32> to vector<16xf32>
        %get3A_271 = arith.constant 9 : i32
        %get3A_272 = arith.index_cast %get3A_271 : i32 to index
        %get3A_273 = arith.index_cast %mul3A_225 : i32 to index
        %get3A_274 = tpu.vector_load %arg6[%get3A_272, %get3A_273] {strides = array<i32>} : memref<24x1664xf32, #tpu.memory_space<vmem>>, vector<1x16xf32>,
        %get3A_275 = vector.shape_cast %get3A_274 : vector<1x16xf32> to vector<16xf32>
        %get3A_276 = arith.constant 10 : i32
        %get3A_277 = arith.index_cast %get3A_276 : i32 to index
        %get3A_278 = arith.index_cast %mul3A_225 : i32 to index
        %get3A_279 = tpu.vector_load %arg6[%get3A_277, %get3A_278] {strides = array<i32>} : memref<24x1664xf32, #tpu.memory_space<vmem>>, vector<1x16xf32>,
        %get3A_280 = vector.shape_cast %get3A_279 : vector<1x16xf32> to vector<16xf32>
        %get3A_281 = arith.constant 11 : i32
        %get3A_282 = arith.index_cast %get3A_281 : i32 to index
        %get3A_283 = arith.index_cast %mul3A_225 : i32 to index
        %get3A_284 = tpu.vector_load %arg6[%get3A_282, %get3A_283] {strides = array<i32>} : memref<24x1664xf32, #tpu.memory_space<vmem>>, vector<1x16xf32>,
        %get3A_285 = vector.shape_cast %get3A_284 : vector<1x16xf32> to vector<16xf32>
        %get3A_286 = arith.constant 12 : i32
        %get3A_287 = arith.index_cast %get3A_286 : i32 to index
        %get3A_288 = arith.index_cast %mul3A_225 : i32 to index
        %get3A_289 = tpu.vector_load %arg6[%get3A_287, %get3A_288] {strides = array<i32>} : memref<24x1664xf32, #tpu.memory_space<vmem>>, vector<1x16xf32>,
        %get3A_290 = vector.shape_cast %get3A_289 : vector<1x16xf32> to vector<16xf32>
        %get3A_291 = arith.constant 13 : i32
        %get3A_292 = arith.index_cast %get3A_291 : i32 to index
        %get3A_293 = arith.index_cast %mul3A_225 : i32 to index
        %get3A_294 = tpu.vector_load %arg6[%get3A_292, %get3A_293] {strides = array<i32>} : memref<24x1664xf32, #tpu.memory_space<vmem>>, vector<1x16xf32>,
        %get3A_295 = vector.shape_cast %get3A_294 : vector<1x16xf32> to vector<16xf32>
        %get3A_296 = arith.constant 14 : i32
        %get3A_297 = arith.index_cast %get3A_296 : i32 to index
        %get3A_298 = arith.index_cast %mul3A_225 : i32 to index
        %get3A_299 = tpu.vector_load %arg6[%get3A_297, %get3A_298] {strides = array<i32>} : memref<24x1664xf32, #tpu.memory_space<vmem>>, vector<1x16xf32>,
        %get3A_300 = vector.shape_cast %get3A_299 : vector<1x16xf32> to vector<16xf32>
        %get3A_301 = arith.constant 15 : i32
        %get3A_302 = arith.index_cast %get3A_301 : i32 to index
        %get3A_303 = arith.index_cast %mul3A_225 : i32 to index
        %get3A_304 = tpu.vector_load %arg6[%get3A_302, %get3A_303] {strides = array<i32>} : memref<24x1664xf32, #tpu.memory_space<vmem>>, vector<1x16xf32>,
        %get3A_305 = vector.shape_cast %get3A_304 : vector<1x16xf32> to vector<16xf32>
        %get3A_306 = arith.constant 16 : i32
        %get3A_307 = arith.index_cast %get3A_306 : i32 to index
        %get3A_308 = arith.index_cast %mul3A_225 : i32 to index
        %get3A_309 = tpu.vector_load %arg6[%get3A_307, %get3A_308] {strides = array<i32>} : memref<24x1664xf32, #tpu.memory_space<vmem>>, vector<1x16xf32>,
        %get3A_310 = vector.shape_cast %get3A_309 : vector<1x16xf32> to vector<16xf32>
        %get3A_311 = arith.constant 17 : i32
        %get3A_312 = arith.index_cast %get3A_311 : i32 to index
        %get3A_313 = arith.index_cast %mul3A_225 : i32 to index
        %get3A_314 = tpu.vector_load %arg6[%get3A_312, %get3A_313] {strides = array<i32>} : memref<24x1664xf32, #tpu.memory_space<vmem>>, vector<1x16xf32>,
        %get3A_315 = vector.shape_cast %get3A_314 : vector<1x16xf32> to vector<16xf32>
        %get3A_316 = arith.constant 18 : i32
        %get3A_317 = arith.index_cast %get3A_316 : i32 to index
        %get3A_318 = arith.index_cast %mul3A_225 : i32 to index
        %get3A_319 = tpu.vector_load %arg6[%get3A_317, %get3A_318] {strides = array<i32>} : memref<24x1664xf32, #tpu.memory_space<vmem>>, vector<1x16xf32>,
        %get3A_320 = vector.shape_cast %get3A_319 : vector<1x16xf32> to vector<16xf32>
        %get3A_321 = arith.constant 19 : i32
        %get3A_322 = arith.index_cast %get3A_321 : i32 to index
        %get3A_323 = arith.index_cast %mul3A_225 : i32 to index
        %get3A_324 = tpu.vector_load %arg6[%get3A_322, %get3A_323] {strides = array<i32>} : memref<24x1664xf32, #tpu.memory_space<vmem>>, vector<1x16xf32>,
        %get3A_325 = vector.shape_cast %get3A_324 : vector<1x16xf32> to vector<16xf32>
        %add3A_326 = arith.addf %get3A_230, %get3A_235 : vector<16xf32>
        %add3A_327 = arith.addf %get3A_240, %get3A_245 : vector<16xf32>
        %add3A_328 = arith.addf %get3A_250, %get3A_255 : vector<16xf32>
        %add3A_329 = arith.addf %get3A_260, %get3A_265 : vector<16xf32>
        %add3A_330 = arith.addf %get3A_270, %get3A_275 : vector<16xf32>
        %add3A_331 = arith.addf %get3A_280, %get3A_285 : vector<16xf32>
        %add3A_332 = arith.addf %get3A_290, %get3A_295 : vector<16xf32>
        %add3A_333 = arith.addf %get3A_300, %get3A_305 : vector<16xf32>
        %add3A_334 = arith.addf %get3A_310, %get3A_315 : vector<16xf32>
        %add3A_335 = arith.addf %get3A_320, %get3A_325 : vector<16xf32>
        %add3A_336 = arith.addf %add3A_326, %add3A_327 : vector<16xf32>
        %add3A_337 = arith.addf %add3A_328, %add3A_329 : vector<16xf32>
        %add3A_338 = arith.addf %add3A_330, %add3A_331 : vector<16xf32>
        %add3A_339 = arith.addf %add3A_332, %add3A_333 : vector<16xf32>
        %add3A_340 = arith.addf %add3A_334, %add3A_335 : vector<16xf32>
        %add3A_341 = arith.addf %add3A_336, %add3A_337 : vector<16xf32>
        %add3A_342 = arith.addf %add3A_338, %add3A_339 : vector<16xf32>
        %add3A_343 = arith.addf %add3A_341, %add3A_342 : vector<16xf32>
        %add3A_344 = arith.addf %add3A_343, %add3A_340 : vector<16xf32>
        %swap3A_345 = arith.index_cast %mul3A_225 : i32 to index
        %swap3A_346 = tpu.vector_load %arg8[%swap3A_345] {strides = array<i32>} : memref<1664xf32, #tpu.memory_space<vmem>>, vector<16xf32>,
        %swap3A_347 = vector.shape_cast %swap3A_346 : vector<16xf32> to vector<16xf32>
        %swap3A_348 = vector.shape_cast %add3A_344 : vector<16xf32> to vector<16xf32>
        tpu.vector_store %arg8[%swap3A_345], %swap3A_348 {strides = array<i32>} : memref<1664xf32, #tpu.memory_space<vmem>>, vector<16xf32>,
      }
      %scan3A_49 = arith.constant 52 : i32
      %add3A_50 = arith.addi %mul3A_2, %add3A_29 : i32
      %dma_start3A_51 = arith.constant 0 : i32
      %dma_start3A_52 = tpu.memref_slice %arg4[%add3A_50, %dma_start3A_51] : memref<1024x1664xf32, #tpu.memory_space<hbm>> -> memref<1x1664xf32, #tpu.memory_space<hbm>>
      %dma_start3A_53 = tpu.memref_squeeze %dma_start3A_52 : memref<1x1664xf32, #tpu.memory_space<hbm>> -> memref<1664xf32, #tpu.memory_space<hbm>>
      %dma_start3A_54 = arith.constant 0 : i32
      %dma_start3A_55 = tpu.memref_slice %arg4[%add3A_50, %dma_start3A_54] : memref<1024x1664xf32, #tpu.memory_space<hbm>> -> memref<1x1664xf32, #tpu.memory_space<hbm>>
      %dma_start3A_56 = tpu.memref_squeeze %dma_start3A_55 : memref<1x1664xf32, #tpu.memory_space<hbm>> -> memref<1664xf32, #tpu.memory_space<hbm>>
      tpu.enqueue_dma source(%arg8 : memref<1664xf32, #tpu.memory_space<vmem>>) target(%dma_start3A_56 : memref<1664xf32, #tpu.memory_space<hbm>>) target_semaphore(%arg12 : memref<!tpu.dma_semaphore, #tpu.memory_space<semaphore_mem>>)
      %mul3A_57 = arith.constant 2 : i32
      %mul3A_58 = arith.muli %mul3A_57, %scan3A_25 : i32
      %add3A_59 = arith.constant 1 : i32
      %add3A_60 = arith.addi %mul3A_58, %add3A_59 : i32
      %add3A_61 = arith.constant 1 : i32
      %add3A_62 = arith.addi %add3A_60, %add3A_61 : i32
      %lt3A_63 = arith.constant 32 : i32
      %lt3A_64 = arith.cmpi slt, %add3A_62, %lt3A_63 : i32
      %convert_element_type3A_65 = arith.extui %lt3A_64 : i1 to i32
      %cond3A_66 = arith.constant 0 : i32
      %cond3A_67 = arith.cmpi ne, %convert_element_type3A_65, %cond3A_66 : i32
      scf.if %cond3A_67 {
        %add3A_92 = arith.constant 1 : i32
        %add3A_93 = arith.addi %add3A_60, %add3A_92 : i32
        %dma_start3A_94 = arith.constant 0 : i32
        %dma_start3A_95 = tpu.memref_slice %arg5[%add3A_93, %dma_start3A_94] : memref<32x24xi32, #tpu.memory_space<vmem>> -> memref<1x24xi32, #tpu.memory_space<vmem>>
        %dma_start3A_96 = tpu.memref_squeeze %dma_start3A_95 : memref<1x24xi32, #tpu.memory_space<vmem>> -> memref<24xi32, #tpu.memory_space<vmem>>
        %dma_start3A_97 = arith.constant 0 : i32
        %dma_start3A_98 = arith.constant 0 : i32
        %dma_start3A_99 = tpu.memref_slice %arg2[%dma_start3A_97, %dma_start3A_98] : memref<100000x1664xf32, #tpu.memory_space<hbm>> -> memref<100000x1664xf32, #tpu.memory_space<hbm>>
        tpu.enqueue_indirect_dma source(%dma_start3A_99 : memref<100000x1664xf32, #tpu.memory_space<hbm>>) target(%arg6 : memref<24x1664xf32, #tpu.memory_space<vmem>>) offsets(%dma_start3A_96 : memref<24xi32, #tpu.memory_space<vmem>>) semaphore(%arg10 : memref<!tpu.dma_semaphore, #tpu.memory_space<semaphore_mem>>)
      } else {
      }
      %dma_wait3A_68 = arith.constant 0 : i32
      %dma_wait3A_69 = tpu.memref_slice %arg5[%add3A_60, %dma_wait3A_68] : memref<32x24xi32, #tpu.memory_space<vmem>> -> memref<1x24xi32, #tpu.memory_space<vmem>>
      %dma_wait3A_70 = tpu.memref_squeeze %dma_wait3A_69 : memref<1x24xi32, #tpu.memory_space<vmem>> -> memref<24xi32, #tpu.memory_space<vmem>>
      %dma_wait3A_71 = arith.constant 0 : i32
      %dma_wait3A_72 = arith.constant 0 : i32
      %dma_wait3A_73 = tpu.memref_slice %arg2[%dma_wait3A_71, %dma_wait3A_72] : memref<100000x1664xf32, #tpu.memory_space<hbm>> -> memref<100000x1664xf32, #tpu.memory_space<hbm>>
      tpu.wait_indirect_dma semaphore(%arg11 : memref<!tpu.dma_semaphore, #tpu.memory_space<semaphore_mem>>) src(%dma_wait3A_73 : memref<100000x1664xf32, #tpu.memory_space<hbm>>) dst(%arg7 : memref<24x1664xf32, #tpu.memory_space<vmem>>)
      %gt3A_74 = arith.constant 0 : i32
      %gt3A_75 = arith.cmpi sgt, %scan3A_25, %gt3A_74 : i32
      %convert_element_type3A_76 = arith.extui %gt3A_75 : i1 to i32
      %cond3A_77 = arith.constant 0 : i32
      %cond3A_78 = arith.cmpi ne, %convert_element_type3A_76, %cond3A_77 : i32
      scf.if %cond3A_78 {
        %dma_wait3A_92 = arith.constant 0 : i32
        %dma_wait3A_93 = tpu.memref_slice %arg4[%mul3A_2, %dma_wait3A_92] : memref<1024x1664xf32, #tpu.memory_space<hbm>> -> memref<1x1664xf32, #tpu.memory_space<hbm>>
        %dma_wait3A_94 = tpu.memref_squeeze %dma_wait3A_93 : memref<1x1664xf32, #tpu.memory_space<hbm>> -> memref<1664xf32, #tpu.memory_space<hbm>>
        %dma_wait3A_95 = arith.constant 0 : i32
        %dma_wait3A_96 = tpu.memref_slice %arg4[%mul3A_2, %dma_wait3A_95] : memref<1024x1664xf32, #tpu.memory_space<hbm>> -> memref<1x1664xf32, #tpu.memory_space<hbm>>
        %dma_wait3A_97 = tpu.memref_squeeze %dma_wait3A_96 : memref<1x1664xf32, #tpu.memory_space<hbm>> -> memref<1664xf32, #tpu.memory_space<hbm>>
        tpu.wait_dma2 semaphore(%arg13 : memref<!tpu.dma_semaphore, #tpu.memory_space<semaphore_mem>>) src(%arg9 : memref<1664xf32, #tpu.memory_space<vmem>>) dst(%dma_wait3A_97 : memref<1664xf32, #tpu.memory_space<hbm>>)
      } else {
      }
      %scan3A_79 = arith.constant 0 : i32
      %scan3A_80 = arith.constant 0 : i32
      %scan3A_81 = arith.constant 52 : i32
      %scan3A_82 = arith.addi %scan3A_80, %scan3A_81 : i32
      %scan3A_83 = arith.constant 1 : i32
      scf.for %scan3A_92 = %scan3A_80 to %scan3A_82 step %scan3A_83  : i32 {
        %mul3A_93 = arith.constant 2 : i32
        %mul3A_94 = arith.muli %mul3A_93, %scan3A_92 : i32
        %add3A_95 = arith.constant 0 : i32
        %add3A_96 = arith.addi %mul3A_94, %add3A_95 : i32
        %mul3A_97 = arith.constant 16 : i32
        %mul3A_98 = arith.muli %add3A_96, %mul3A_97 : i32
        %get3A = arith.constant 0 : i32
        %get3A_99 = arith.index_cast %get3A : i32 to index
        %get3A_100 = arith.index_cast %mul3A_98 : i32 to index
        %get3A_101 = tpu.vector_load %arg7[%get3A_99, %get3A_100] {strides = array<i32>} : memref<24x1664xf32, #tpu.memory_space<vmem>>, vector<1x16xf32>,
        %get3A_102 = vector.shape_cast %get3A_101 : vector<1x16xf32> to vector<16xf32>
        %get3A_103 = arith.constant 1 : i32
        %get3A_104 = arith.index_cast %get3A_103 : i32 to index
        %get3A_105 = arith.index_cast %mul3A_98 : i32 to index
        %get3A_106 = tpu.vector_load %arg7[%get3A_104, %get3A_105] {strides = array<i32>} : memref<24x1664xf32, #tpu.memory_space<vmem>>, vector<1x16xf32>,
        %get3A_107 = vector.shape_cast %get3A_106 : vector<1x16xf32> to vector<16xf32>
        %get3A_108 = arith.constant 2 : i32
        %get3A_109 = arith.index_cast %get3A_108 : i32 to index
        %get3A_110 = arith.index_cast %mul3A_98 : i32 to index
        %get3A_111 = tpu.vector_load %arg7[%get3A_109, %get3A_110] {strides = array<i32>} : memref<24x1664xf32, #tpu.memory_space<vmem>>, vector<1x16xf32>,
        %get3A_112 = vector.shape_cast %get3A_111 : vector<1x16xf32> to vector<16xf32>
        %get3A_113 = arith.constant 3 : i32
        %get3A_114 = arith.index_cast %get3A_113 : i32 to index
        %get3A_115 = arith.index_cast %mul3A_98 : i32 to index
        %get3A_116 = tpu.vector_load %arg7[%get3A_114, %get3A_115] {strides = array<i32>} : memref<24x1664xf32, #tpu.memory_space<vmem>>, vector<1x16xf32>,
        %get3A_117 = vector.shape_cast %get3A_116 : vector<1x16xf32> to vector<16xf32>
        %get3A_118 = arith.constant 4 : i32
        %get3A_119 = arith.index_cast %get3A_118 : i32 to index
        %get3A_120 = arith.index_cast %mul3A_98 : i32 to index
        %get3A_121 = tpu.vector_load %arg7[%get3A_119, %get3A_120] {strides = array<i32>} : memref<24x1664xf32, #tpu.memory_space<vmem>>, vector<1x16xf32>,
        %get3A_122 = vector.shape_cast %get3A_121 : vector<1x16xf32> to vector<16xf32>
        %get3A_123 = arith.constant 5 : i32
        %get3A_124 = arith.index_cast %get3A_123 : i32 to index
        %get3A_125 = arith.index_cast %mul3A_98 : i32 to index
        %get3A_126 = tpu.vector_load %arg7[%get3A_124, %get3A_125] {strides = array<i32>} : memref<24x1664xf32, #tpu.memory_space<vmem>>, vector<1x16xf32>,
        %get3A_127 = vector.shape_cast %get3A_126 : vector<1x16xf32> to vector<16xf32>
        %get3A_128 = arith.constant 6 : i32
        %get3A_129 = arith.index_cast %get3A_128 : i32 to index
        %get3A_130 = arith.index_cast %mul3A_98 : i32 to index
        %get3A_131 = tpu.vector_load %arg7[%get3A_129, %get3A_130] {strides = array<i32>} : memref<24x1664xf32, #tpu.memory_space<vmem>>, vector<1x16xf32>,
        %get3A_132 = vector.shape_cast %get3A_131 : vector<1x16xf32> to vector<16xf32>
        %get3A_133 = arith.constant 7 : i32
        %get3A_134 = arith.index_cast %get3A_133 : i32 to index
        %get3A_135 = arith.index_cast %mul3A_98 : i32 to index
        %get3A_136 = tpu.vector_load %arg7[%get3A_134, %get3A_135] {strides = array<i32>} : memref<24x1664xf32, #tpu.memory_space<vmem>>, vector<1x16xf32>,
        %get3A_137 = vector.shape_cast %get3A_136 : vector<1x16xf32> to vector<16xf32>
        %get3A_138 = arith.constant 8 : i32
        %get3A_139 = arith.index_cast %get3A_138 : i32 to index
        %get3A_140 = arith.index_cast %mul3A_98 : i32 to index
        %get3A_141 = tpu.vector_load %arg7[%get3A_139, %get3A_140] {strides = array<i32>} : memref<24x1664xf32, #tpu.memory_space<vmem>>, vector<1x16xf32>,
        %get3A_142 = vector.shape_cast %get3A_141 : vector<1x16xf32> to vector<16xf32>
        %get3A_143 = arith.constant 9 : i32
        %get3A_144 = arith.index_cast %get3A_143 : i32 to index
        %get3A_145 = arith.index_cast %mul3A_98 : i32 to index
        %get3A_146 = tpu.vector_load %arg7[%get3A_144, %get3A_145] {strides = array<i32>} : memref<24x1664xf32, #tpu.memory_space<vmem>>, vector<1x16xf32>,
        %get3A_147 = vector.shape_cast %get3A_146 : vector<1x16xf32> to vector<16xf32>
        %get3A_148 = arith.constant 10 : i32
        %get3A_149 = arith.index_cast %get3A_148 : i32 to index
        %get3A_150 = arith.index_cast %mul3A_98 : i32 to index
        %get3A_151 = tpu.vector_load %arg7[%get3A_149, %get3A_150] {strides = array<i32>} : memref<24x1664xf32, #tpu.memory_space<vmem>>, vector<1x16xf32>,
        %get3A_152 = vector.shape_cast %get3A_151 : vector<1x16xf32> to vector<16xf32>
        %get3A_153 = arith.constant 11 : i32
        %get3A_154 = arith.index_cast %get3A_153 : i32 to index
        %get3A_155 = arith.index_cast %mul3A_98 : i32 to index
        %get3A_156 = tpu.vector_load %arg7[%get3A_154, %get3A_155] {strides = array<i32>} : memref<24x1664xf32, #tpu.memory_space<vmem>>, vector<1x16xf32>,
        %get3A_157 = vector.shape_cast %get3A_156 : vector<1x16xf32> to vector<16xf32>
        %get3A_158 = arith.constant 12 : i32
        %get3A_159 = arith.index_cast %get3A_158 : i32 to index
        %get3A_160 = arith.index_cast %mul3A_98 : i32 to index
        %get3A_161 = tpu.vector_load %arg7[%get3A_159, %get3A_160] {strides = array<i32>} : memref<24x1664xf32, #tpu.memory_space<vmem>>, vector<1x16xf32>,
        %get3A_162 = vector.shape_cast %get3A_161 : vector<1x16xf32> to vector<16xf32>
        %get3A_163 = arith.constant 13 : i32
        %get3A_164 = arith.index_cast %get3A_163 : i32 to index
        %get3A_165 = arith.index_cast %mul3A_98 : i32 to index
        %get3A_166 = tpu.vector_load %arg7[%get3A_164, %get3A_165] {strides = array<i32>} : memref<24x1664xf32, #tpu.memory_space<vmem>>, vector<1x16xf32>,
        %get3A_167 = vector.shape_cast %get3A_166 : vector<1x16xf32> to vector<16xf32>
        %get3A_168 = arith.constant 14 : i32
        %get3A_169 = arith.index_cast %get3A_168 : i32 to index
        %get3A_170 = arith.index_cast %mul3A_98 : i32 to index
        %get3A_171 = tpu.vector_load %arg7[%get3A_169, %get3A_170] {strides = array<i32>} : memref<24x1664xf32, #tpu.memory_space<vmem>>, vector<1x16xf32>,
        %get3A_172 = vector.shape_cast %get3A_171 : vector<1x16xf32> to vector<16xf32>
        %get3A_173 = arith.constant 15 : i32
        %get3A_174 = arith.index_cast %get3A_173 : i32 to index
        %get3A_175 = arith.index_cast %mul3A_98 : i32 to index
        %get3A_176 = tpu.vector_load %arg7[%get3A_174, %get3A_175] {strides = array<i32>} : memref<24x1664xf32, #tpu.memory_space<vmem>>, vector<1x16xf32>,
        %get3A_177 = vector.shape_cast %get3A_176 : vector<1x16xf32> to vector<16xf32>
        %get3A_178 = arith.constant 16 : i32
        %get3A_179 = arith.index_cast %get3A_178 : i32 to index
        %get3A_180 = arith.index_cast %mul3A_98 : i32 to index
        %get3A_181 = tpu.vector_load %arg7[%get3A_179, %get3A_180] {strides = array<i32>} : memref<24x1664xf32, #tpu.memory_space<vmem>>, vector<1x16xf32>,
        %get3A_182 = vector.shape_cast %get3A_181 : vector<1x16xf32> to vector<16xf32>
        %get3A_183 = arith.constant 17 : i32
        %get3A_184 = arith.index_cast %get3A_183 : i32 to index
        %get3A_185 = arith.index_cast %mul3A_98 : i32 to index
        %get3A_186 = tpu.vector_load %arg7[%get3A_184, %get3A_185] {strides = array<i32>} : memref<24x1664xf32, #tpu.memory_space<vmem>>, vector<1x16xf32>,
        %get3A_187 = vector.shape_cast %get3A_186 : vector<1x16xf32> to vector<16xf32>
        %get3A_188 = arith.constant 18 : i32
        %get3A_189 = arith.index_cast %get3A_188 : i32 to index
        %get3A_190 = arith.index_cast %mul3A_98 : i32 to index
        %get3A_191 = tpu.vector_load %arg7[%get3A_189, %get3A_190] {strides = array<i32>} : memref<24x1664xf32, #tpu.memory_space<vmem>>, vector<1x16xf32>,
        %get3A_192 = vector.shape_cast %get3A_191 : vector<1x16xf32> to vector<16xf32>
        %get3A_193 = arith.constant 19 : i32
        %get3A_194 = arith.index_cast %get3A_193 : i32 to index
        %get3A_195 = arith.index_cast %mul3A_98 : i32 to index
        %get3A_196 = tpu.vector_load %arg7[%get3A_194, %get3A_195] {strides = array<i32>} : memref<24x1664xf32, #tpu.memory_space<vmem>>, vector<1x16xf32>,
        %get3A_197 = vector.shape_cast %get3A_196 : vector<1x16xf32> to vector<16xf32>
        %add3A_198 = arith.addf %get3A_102, %get3A_107 : vector<16xf32>
        %add3A_199 = arith.addf %get3A_112, %get3A_117 : vector<16xf32>
        %add3A_200 = arith.addf %get3A_122, %get3A_127 : vector<16xf32>
        %add3A_201 = arith.addf %get3A_132, %get3A_137 : vector<16xf32>
        %add3A_202 = arith.addf %get3A_142, %get3A_147 : vector<16xf32>
        %add3A_203 = arith.addf %get3A_152, %get3A_157 : vector<16xf32>
        %add3A_204 = arith.addf %get3A_162, %get3A_167 : vector<16xf32>
        %add3A_205 = arith.addf %get3A_172, %get3A_177 : vector<16xf32>
        %add3A_206 = arith.addf %get3A_182, %get3A_187 : vector<16xf32>
        %add3A_207 = arith.addf %get3A_192, %get3A_197 : vector<16xf32>
        %add3A_208 = arith.addf %add3A_198, %add3A_199 : vector<16xf32>
        %add3A_209 = arith.addf %add3A_200, %add3A_201 : vector<16xf32>
        %add3A_210 = arith.addf %add3A_202, %add3A_203 : vector<16xf32>
        %add3A_211 = arith.addf %add3A_204, %add3A_205 : vector<16xf32>
        %add3A_212 = arith.addf %add3A_206, %add3A_207 : vector<16xf32>
        %add3A_213 = arith.addf %add3A_208, %add3A_209 : vector<16xf32>
        %add3A_214 = arith.addf %add3A_210, %add3A_211 : vector<16xf32>
        %add3A_215 = arith.addf %add3A_213, %add3A_214 : vector<16xf32>
        %add3A_216 = arith.addf %add3A_215, %add3A_212 : vector<16xf32>
        %swap3A = arith.index_cast %mul3A_98 : i32 to index
        %swap3A_217 = tpu.vector_load %arg9[%swap3A] {strides = array<i32>} : memref<1664xf32, #tpu.memory_space<vmem>>, vector<16xf32>,
        %swap3A_218 = vector.shape_cast %swap3A_217 : vector<16xf32> to vector<16xf32>
        %swap3A_219 = vector.shape_cast %add3A_216 : vector<16xf32> to vector<16xf32>
        tpu.vector_store %arg9[%swap3A], %swap3A_219 {strides = array<i32>} : memref<1664xf32, #tpu.memory_space<vmem>>, vector<16xf32>,
        %mul3A_220 = arith.constant 2 : i32
        %mul3A_221 = arith.muli %mul3A_220, %scan3A_92 : i32
        %add3A_222 = arith.constant 1 : i32
        %add3A_223 = arith.addi %mul3A_221, %add3A_222 : i32
        %mul3A_224 = arith.constant 16 : i32
        %mul3A_225 = arith.muli %add3A_223, %mul3A_224 : i32
        %get3A_226 = arith.constant 0 : i32
        %get3A_227 = arith.index_cast %get3A_226 : i32 to index
        %get3A_228 = arith.index_cast %mul3A_225 : i32 to index
        %get3A_229 = tpu.vector_load %arg7[%get3A_227, %get3A_228] {strides = array<i32>} : memref<24x1664xf32, #tpu.memory_space<vmem>>, vector<1x16xf32>,
        %get3A_230 = vector.shape_cast %get3A_229 : vector<1x16xf32> to vector<16xf32>
        %get3A_231 = arith.constant 1 : i32
        %get3A_232 = arith.index_cast %get3A_231 : i32 to index
        %get3A_233 = arith.index_cast %mul3A_225 : i32 to index
        %get3A_234 = tpu.vector_load %arg7[%get3A_232, %get3A_233] {strides = array<i32>} : memref<24x1664xf32, #tpu.memory_space<vmem>>, vector<1x16xf32>,
        %get3A_235 = vector.shape_cast %get3A_234 : vector<1x16xf32> to vector<16xf32>
        %get3A_236 = arith.constant 2 : i32
        %get3A_237 = arith.index_cast %get3A_236 : i32 to index
        %get3A_238 = arith.index_cast %mul3A_225 : i32 to index
        %get3A_239 = tpu.vector_load %arg7[%get3A_237, %get3A_238] {strides = array<i32>} : memref<24x1664xf32, #tpu.memory_space<vmem>>, vector<1x16xf32>,
        %get3A_240 = vector.shape_cast %get3A_239 : vector<1x16xf32> to vector<16xf32>
        %get3A_241 = arith.constant 3 : i32
        %get3A_242 = arith.index_cast %get3A_241 : i32 to index
        %get3A_243 = arith.index_cast %mul3A_225 : i32 to index
        %get3A_244 = tpu.vector_load %arg7[%get3A_242, %get3A_243] {strides = array<i32>} : memref<24x1664xf32, #tpu.memory_space<vmem>>, vector<1x16xf32>,
        %get3A_245 = vector.shape_cast %get3A_244 : vector<1x16xf32> to vector<16xf32>
        %get3A_246 = arith.constant 4 : i32
        %get3A_247 = arith.index_cast %get3A_246 : i32 to index
        %get3A_248 = arith.index_cast %mul3A_225 : i32 to index
        %get3A_249 = tpu.vector_load %arg7[%get3A_247, %get3A_248] {strides = array<i32>} : memref<24x1664xf32, #tpu.memory_space<vmem>>, vector<1x16xf32>,
        %get3A_250 = vector.shape_cast %get3A_249 : vector<1x16xf32> to vector<16xf32>
        %get3A_251 = arith.constant 5 : i32
        %get3A_252 = arith.index_cast %get3A_251 : i32 to index
        %get3A_253 = arith.index_cast %mul3A_225 : i32 to index
        %get3A_254 = tpu.vector_load %arg7[%get3A_252, %get3A_253] {strides = array<i32>} : memref<24x1664xf32, #tpu.memory_space<vmem>>, vector<1x16xf32>,
        %get3A_255 = vector.shape_cast %get3A_254 : vector<1x16xf32> to vector<16xf32>
        %get3A_256 = arith.constant 6 : i32
        %get3A_257 = arith.index_cast %get3A_256 : i32 to index
        %get3A_258 = arith.index_cast %mul3A_225 : i32 to index
        %get3A_259 = tpu.vector_load %arg7[%get3A_257, %get3A_258] {strides = array<i32>} : memref<24x1664xf32, #tpu.memory_space<vmem>>, vector<1x16xf32>,
        %get3A_260 = vector.shape_cast %get3A_259 : vector<1x16xf32> to vector<16xf32>
        %get3A_261 = arith.constant 7 : i32
        %get3A_262 = arith.index_cast %get3A_261 : i32 to index
        %get3A_263 = arith.index_cast %mul3A_225 : i32 to index
        %get3A_264 = tpu.vector_load %arg7[%get3A_262, %get3A_263] {strides = array<i32>} : memref<24x1664xf32, #tpu.memory_space<vmem>>, vector<1x16xf32>,
        %get3A_265 = vector.shape_cast %get3A_264 : vector<1x16xf32> to vector<16xf32>
        %get3A_266 = arith.constant 8 : i32
        %get3A_267 = arith.index_cast %get3A_266 : i32 to index
        %get3A_268 = arith.index_cast %mul3A_225 : i32 to index
        %get3A_269 = tpu.vector_load %arg7[%get3A_267, %get3A_268] {strides = array<i32>} : memref<24x1664xf32, #tpu.memory_space<vmem>>, vector<1x16xf32>,
        %get3A_270 = vector.shape_cast %get3A_269 : vector<1x16xf32> to vector<16xf32>
        %get3A_271 = arith.constant 9 : i32
        %get3A_272 = arith.index_cast %get3A_271 : i32 to index
        %get3A_273 = arith.index_cast %mul3A_225 : i32 to index
        %get3A_274 = tpu.vector_load %arg7[%get3A_272, %get3A_273] {strides = array<i32>} : memref<24x1664xf32, #tpu.memory_space<vmem>>, vector<1x16xf32>,
        %get3A_275 = vector.shape_cast %get3A_274 : vector<1x16xf32> to vector<16xf32>
        %get3A_276 = arith.constant 10 : i32
        %get3A_277 = arith.index_cast %get3A_276 : i32 to index
        %get3A_278 = arith.index_cast %mul3A_225 : i32 to index
        %get3A_279 = tpu.vector_load %arg7[%get3A_277, %get3A_278] {strides = array<i32>} : memref<24x1664xf32, #tpu.memory_space<vmem>>, vector<1x16xf32>,
        %get3A_280 = vector.shape_cast %get3A_279 : vector<1x16xf32> to vector<16xf32>
        %get3A_281 = arith.constant 11 : i32
        %get3A_282 = arith.index_cast %get3A_281 : i32 to index
        %get3A_283 = arith.index_cast %mul3A_225 : i32 to index
        %get3A_284 = tpu.vector_load %arg7[%get3A_282, %get3A_283] {strides = array<i32>} : memref<24x1664xf32, #tpu.memory_space<vmem>>, vector<1x16xf32>,
        %get3A_285 = vector.shape_cast %get3A_284 : vector<1x16xf32> to vector<16xf32>
        %get3A_286 = arith.constant 12 : i32
        %get3A_287 = arith.index_cast %get3A_286 : i32 to index
        %get3A_288 = arith.index_cast %mul3A_225 : i32 to index
        %get3A_289 = tpu.vector_load %arg7[%get3A_287, %get3A_288] {strides = array<i32>} : memref<24x1664xf32, #tpu.memory_space<vmem>>, vector<1x16xf32>,
        %get3A_290 = vector.shape_cast %get3A_289 : vector<1x16xf32> to vector<16xf32>
        %get3A_291 = arith.constant 13 : i32
        %get3A_292 = arith.index_cast %get3A_291 : i32 to index
        %get3A_293 = arith.index_cast %mul3A_225 : i32 to index
        %get3A_294 = tpu.vector_load %arg7[%get3A_292, %get3A_293] {strides = array<i32>} : memref<24x1664xf32, #tpu.memory_space<vmem>>, vector<1x16xf32>,
        %get3A_295 = vector.shape_cast %get3A_294 : vector<1x16xf32> to vector<16xf32>
        %get3A_296 = arith.constant 14 : i32
        %get3A_297 = arith.index_cast %get3A_296 : i32 to index
        %get3A_298 = arith.index_cast %mul3A_225 : i32 to index
        %get3A_299 = tpu.vector_load %arg7[%get3A_297, %get3A_298] {strides = array<i32>} : memref<24x1664xf32, #tpu.memory_space<vmem>>, vector<1x16xf32>,
        %get3A_300 = vector.shape_cast %get3A_299 : vector<1x16xf32> to vector<16xf32>
        %get3A_301 = arith.constant 15 : i32
        %get3A_302 = arith.index_cast %get3A_301 : i32 to index
        %get3A_303 = arith.index_cast %mul3A_225 : i32 to index
        %get3A_304 = tpu.vector_load %arg7[%get3A_302, %get3A_303] {strides = array<i32>} : memref<24x1664xf32, #tpu.memory_space<vmem>>, vector<1x16xf32>,
        %get3A_305 = vector.shape_cast %get3A_304 : vector<1x16xf32> to vector<16xf32>
        %get3A_306 = arith.constant 16 : i32
        %get3A_307 = arith.index_cast %get3A_306 : i32 to index
        %get3A_308 = arith.index_cast %mul3A_225 : i32 to index
        %get3A_309 = tpu.vector_load %arg7[%get3A_307, %get3A_308] {strides = array<i32>} : memref<24x1664xf32, #tpu.memory_space<vmem>>, vector<1x16xf32>,
        %get3A_310 = vector.shape_cast %get3A_309 : vector<1x16xf32> to vector<16xf32>
        %get3A_311 = arith.constant 17 : i32
        %get3A_312 = arith.index_cast %get3A_311 : i32 to index
        %get3A_313 = arith.index_cast %mul3A_225 : i32 to index
        %get3A_314 = tpu.vector_load %arg7[%get3A_312, %get3A_313] {strides = array<i32>} : memref<24x1664xf32, #tpu.memory_space<vmem>>, vector<1x16xf32>,
        %get3A_315 = vector.shape_cast %get3A_314 : vector<1x16xf32> to vector<16xf32>
        %get3A_316 = arith.constant 18 : i32
        %get3A_317 = arith.index_cast %get3A_316 : i32 to index
        %get3A_318 = arith.index_cast %mul3A_225 : i32 to index
        %get3A_319 = tpu.vector_load %arg7[%get3A_317, %get3A_318] {strides = array<i32>} : memref<24x1664xf32, #tpu.memory_space<vmem>>, vector<1x16xf32>,
        %get3A_320 = vector.shape_cast %get3A_319 : vector<1x16xf32> to vector<16xf32>
        %get3A_321 = arith.constant 19 : i32
        %get3A_322 = arith.index_cast %get3A_321 : i32 to index
        %get3A_323 = arith.index_cast %mul3A_225 : i32 to index
        %get3A_324 = tpu.vector_load %arg7[%get3A_322, %get3A_323] {strides = array<i32>} : memref<24x1664xf32, #tpu.memory_space<vmem>>, vector<1x16xf32>,
        %get3A_325 = vector.shape_cast %get3A_324 : vector<1x16xf32> to vector<16xf32>
        %add3A_326 = arith.addf %get3A_230, %get3A_235 : vector<16xf32>
        %add3A_327 = arith.addf %get3A_240, %get3A_245 : vector<16xf32>
        %add3A_328 = arith.addf %get3A_250, %get3A_255 : vector<16xf32>
        %add3A_329 = arith.addf %get3A_260, %get3A_265 : vector<16xf32>
        %add3A_330 = arith.addf %get3A_270, %get3A_275 : vector<16xf32>
        %add3A_331 = arith.addf %get3A_280, %get3A_285 : vector<16xf32>
        %add3A_332 = arith.addf %get3A_290, %get3A_295 : vector<16xf32>
        %add3A_333 = arith.addf %get3A_300, %get3A_305 : vector<16xf32>
        %add3A_334 = arith.addf %get3A_310, %get3A_315 : vector<16xf32>
        %add3A_335 = arith.addf %get3A_320, %get3A_325 : vector<16xf32>
        %add3A_336 = arith.addf %add3A_326, %add3A_327 : vector<16xf32>
        %add3A_337 = arith.addf %add3A_328, %add3A_329 : vector<16xf32>
        %add3A_338 = arith.addf %add3A_330, %add3A_331 : vector<16xf32>
        %add3A_339 = arith.addf %add3A_332, %add3A_333 : vector<16xf32>
        %add3A_340 = arith.addf %add3A_334, %add3A_335 : vector<16xf32>
        %add3A_341 = arith.addf %add3A_336, %add3A_337 : vector<16xf32>
        %add3A_342 = arith.addf %add3A_338, %add3A_339 : vector<16xf32>
        %add3A_343 = arith.addf %add3A_341, %add3A_342 : vector<16xf32>
        %add3A_344 = arith.addf %add3A_343, %add3A_340 : vector<16xf32>
        %swap3A_345 = arith.index_cast %mul3A_225 : i32 to index
        %swap3A_346 = tpu.vector_load %arg9[%swap3A_345] {strides = array<i32>} : memref<1664xf32, #tpu.memory_space<vmem>>, vector<16xf32>,
        %swap3A_347 = vector.shape_cast %swap3A_346 : vector<16xf32> to vector<16xf32>
        %swap3A_348 = vector.shape_cast %add3A_344 : vector<16xf32> to vector<16xf32>
        tpu.vector_store %arg9[%swap3A_345], %swap3A_348 {strides = array<i32>} : memref<1664xf32, #tpu.memory_space<vmem>>, vector<16xf32>,
      }
      %scan3A_84 = arith.constant 52 : i32
      %add3A_85 = arith.addi %mul3A_2, %add3A_60 : i32
      %dma_start3A_86 = arith.constant 0 : i32
      %dma_start3A_87 = tpu.memref_slice %arg4[%add3A_85, %dma_start3A_86] : memref<1024x1664xf32, #tpu.memory_space<hbm>> -> memref<1x1664xf32, #tpu.memory_space<hbm>>
      %dma_start3A_88 = tpu.memref_squeeze %dma_start3A_87 : memref<1x1664xf32, #tpu.memory_space<hbm>> -> memref<1664xf32, #tpu.memory_space<hbm>>
      %dma_start3A_89 = arith.constant 0 : i32
      %dma_start3A_90 = tpu.memref_slice %arg4[%add3A_85, %dma_start3A_89] : memref<1024x1664xf32, #tpu.memory_space<hbm>> -> memref<1x1664xf32, #tpu.memory_space<hbm>>
      %dma_start3A_91 = tpu.memref_squeeze %dma_start3A_90 : memref<1x1664xf32, #tpu.memory_space<hbm>> -> memref<1664xf32, #tpu.memory_space<hbm>>
      tpu.enqueue_dma source(%arg9 : memref<1664xf32, #tpu.memory_space<vmem>>) target(%dma_start3A_91 : memref<1664xf32, #tpu.memory_space<hbm>>) target_semaphore(%arg13 : memref<!tpu.dma_semaphore, #tpu.memory_space<semaphore_mem>>)
    }
    %scan3A_13 = arith.constant 16 : i32
    %dma_wait3A = arith.constant 0 : i32
    %dma_wait3A_14 = tpu.memref_slice %arg4[%mul3A_2, %dma_wait3A] : memref<1024x1664xf32, #tpu.memory_space<hbm>> -> memref<1x1664xf32, #tpu.memory_space<hbm>>
    %dma_wait3A_15 = tpu.memref_squeeze %dma_wait3A_14 : memref<1x1664xf32, #tpu.memory_space<hbm>> -> memref<1664xf32, #tpu.memory_space<hbm>>
    %dma_wait3A_16 = arith.constant 0 : i32
    %dma_wait3A_17 = tpu.memref_slice %arg4[%mul3A_2, %dma_wait3A_16] : memref<1024x1664xf32, #tpu.memory_space<hbm>> -> memref<1x1664xf32, #tpu.memory_space<hbm>>
    %dma_wait3A_18 = tpu.memref_squeeze %dma_wait3A_17 : memref<1x1664xf32, #tpu.memory_space<hbm>> -> memref<1664xf32, #tpu.memory_space<hbm>>
    tpu.wait_dma2 semaphore(%arg12 : memref<!tpu.dma_semaphore, #tpu.memory_space<semaphore_mem>>) src(%arg8 : memref<1664xf32, #tpu.memory_space<vmem>>) dst(%dma_wait3A_18 : memref<1664xf32, #tpu.memory_space<hbm>>)
    %dma_wait3A_19 = arith.constant 0 : i32
    %dma_wait3A_20 = tpu.memref_slice %arg4[%mul3A_2, %dma_wait3A_19] : memref<1024x1664xf32, #tpu.memory_space<hbm>> -> memref<1x1664xf32, #tpu.memory_space<hbm>>
    %dma_wait3A_21 = tpu.memref_squeeze %dma_wait3A_20 : memref<1x1664xf32, #tpu.memory_space<hbm>> -> memref<1664xf32, #tpu.memory_space<hbm>>
    %dma_wait3A_22 = arith.constant 0 : i32
    %dma_wait3A_23 = tpu.memref_slice %arg4[%mul3A_2, %dma_wait3A_22] : memref<1024x1664xf32, #tpu.memory_space<hbm>> -> memref<1x1664xf32, #tpu.memory_space<hbm>>
    %dma_wait3A_24 = tpu.memref_squeeze %dma_wait3A_23 : memref<1x1664xf32, #tpu.memory_space<hbm>> -> memref<1664xf32, #tpu.memory_space<hbm>>
    tpu.wait_dma2 semaphore(%arg13 : memref<!tpu.dma_semaphore, #tpu.memory_space<semaphore_mem>>) src(%arg9 : memref<1664xf32, #tpu.memory_space<vmem>>) dst(%dma_wait3A_24 : memref<1664xf32, #tpu.memory_space<hbm>>)
    return
  }
}

</mosaic_0001>

<sc_bundles>
// kernel: kernel.3.cloned.1.call-start
scs
__scs_entry_jumppad:
0x0: {  	(pc) =	sbr.rel $0x88, $3  }
0x1: {  	(tag) =	ssettag $0x0;
	lr =	simm.s32 $0x1  }
0x2: {  	[smem:$0x3F9F] =	sst lr;
	_ =	strace $0xD0000000  }
0x3: {  	_ = 	snop  }
0x4: {  	_ = 	snop  }
0x5: {  	_ = 	snop  }
0x6: {  	_ = 	snop  }
0x7: {  	_ = 	snop  }
__scs_overlays_trampoline_lowered:
0x8: {  	[smem:$0x3FAE] =	sst s0  }
0x9: {  	[smem:$0x3FAF] =	sst s1  }
0xa: {  	[smem:$0x3FB0] =	sst s2  }
0xb: {  	[smem:$0x3FB1] =	sst s3  }
0xc: {  	[smem:$0x3FB2] =	sst s4  }
0xd: {  	[smem:$0x3FB3] =	sst s5  }
0xe: {  	[smem:$0x3FB4] =	sst s6  }
0xf: {  	[smem:$0x3FB5] =	sst s7  }
0x10: {  	[smem:$0x3FB6] =	sst s8  }
0x11: {  	[smem:$0x3FB7] =	sst s9;
	s0 =	simm.s32 @!p0 $0x0  }
0x12: {  	s1 =	sld [smem:$0x3F9D];
	s0 =	simm.s32 @p0 $0x1  }
0x13: {  	[smem:$0x3FB8] =	sst s0;
	s0 =	simm.s32 @!p1 $0x0  }
0x14: {  	s2 =	sld [smem:$0x3F9C];
	s0 =	simm.s32 @p1 $0x1  }
0x15: {  	[smem:$0x3FB9] =	sst s0;
	s0 =	simm.s32 @!p2 $0x0  }
0x16: {  	s3 =	sld [smem:$0x3FDB];
	s0 =	simm.s32 @p2 $0x1  }
0x17: {  	s4 =	simm.s32 $0x1BF5;
	[smem:$0x3FBB] =	sst s0  }
0x18: {  	s0 =	sld [smem:$0x3F9E];
	_ =	swait.ge [sflag:s4], $0x0  }
0x19: {  	s7 =	sld [smem:$0x3F9F]  }
0x1a: {  	s8 =	sadd.s32 $0xFFFFE003, lr  }
0x1b: {  	s9 =	sadd.s32 $0xFFFFFEF7, lr;
	s5 =	simm.s32 $0xFFFFFFFF;
	p2 =	slt.u32 s8, $0xFFFFF086  }
0x1c: {  	p1 =	slt.u32 s9, $0xF7A;
	s5 =	simm.s32 @!p2 $0x0  }
0x1d: {  	s5 =	simm.s32 @p1 $0x1;
	p0 =	seq.s32 s7, s2  }
0x1e: {  	s7 =	smul.u32 @!p0 $0xF7A, s2;
	p2 =	seq.s32 @!p0 s5, $0x0  }
0x1f: {  	s9 =	smul.u32 $0xF7A, s1;
	s8 =	simm.s32 @!p0 $0x1BF5;
	p2 =	por !p2, p0  }
0x20: {  	[sflag:s8] =	ssyncset.s32 @!p0 $0xFFFFF086;
	s6 =	sadd.s32 @!p0 s3, s7;
	s7 =	simm.s32 @!p0 $0x108  }
0x21: {  	s3 =	sadd.s32 s3, s9;
	s6 =	sadd.s32 @!p0 $0x88, s6;
	s7 =	simm.s32 @p2 $0x1082  }
0x22: {  	[simem:s7], [sflag:s8] =	dma.local @!p0 [hbm:s6], $0xF7A  }
0x23: {  	s9 =	sor.u32 $0xD0000000, s2;
	s6 =	simm.s32 $0x108;
	_ =	swait.ge @!p0 [sflag:s8], $0x0  }
0x24: {  	s3 =	sadd.s32 $0x88, s3;
	s6 =	simm.s32 @!p1 $0x1082;
	[sflag:s4] =	ssyncset.s32 $0xFFFFF086  }
0x25: {  	[simem:s6], [sflag:s4] =	dma.local [hbm:s3], $0xF7A  }
0x26: {  	[smem:$0x3F9F] =	sst s1;
	(tag) =	ssettag s2;
	_ =	strace s9  }
0x27: {  	s1 =	sld [smem:$0x3FAF]  }
0x28: {  	s2 =	sld [smem:$0x3FB0]  }
0x29: {  	s4 =	sld [smem:$0x3FB2]  }
0x2a: {  	p0 =	seq.s32 s5, $0x0;
	s5 =	sld [smem:$0x3FB3]  }
0x2b: {  	s6 =	sld [smem:$0x3FB4]  }
0x2c: {  	s7 =	sld [smem:$0x3FB5]  }
0x2d: {  	s3 =	simm.s32 $0x108;
	s8 =	sld [smem:$0x3FB6]  }
0x2e: {  	s3 =	simm.s32 @!p0 $0x1082;
	s9 =	sld [smem:$0x3FB7]  }
0x2f: {  	lr =	sadd.s32 s0, s3;
	s0 =	sld [smem:$0x3FAE]  }
0x30: {  	s3 =	sld [smem:$0x3FB1]  }
0x31: {  	[smem:$0x3FBA] =	sst s10  }
0x32: {  	s10 =	sld [smem:$0x3FB8];
	_ =	sdelay $0x3  }
0x33: {  	p0 =	seq.s32 s10, $0x1;
	s10 =	sld [smem:$0x3FBA];
	_ =	sdelay $0x3  }
0x34: {  	[smem:$0x3FBA] =	sst s10  }
0x35: {  	s10 =	sld [smem:$0x3FB9];
	_ =	sdelay $0x3  }
0x36: {  	p1 =	seq.s32 s10, $0x1;
	s10 =	sld [smem:$0x3FBA];
	_ =	sdelay $0x3  }
0x37: {  	[smem:$0x3FBA] =	sst s10  }
0x38: {  	s10 =	sld [smem:$0x3FBB]  }
0x39: {  	_ = 	snop;
	(pc) =	sbr.ind lr, $3  }
0x3a: {  	_ = 	snop  }
0x3b: {  	_ = 	snop  }
0x3c: {  	p2 =	seq.s32 s10, $0x1;
	s10 =	sld [smem:$0x3FBA]  }
0x3d: {  	_ =	shalt  }
0x3e: {  	_ =	shalt  }
0x3f: {  	_ =	shalt  }
0x40: {  	_ =	shalt  }
0x41: {  	_ =	shalt  }
0x42: {  	_ =	shalt  }
0x43: {  	_ =	shalt  }
0x44: {  	_ =	shalt  }
0x45: {  	_ =	shalt  }
0x46: {  	_ =	shalt  }
0x47: {  	_ =	shalt  }
0x48: {  	_ =	shalt  }
0x49: {  	_ =	shalt  }
0x4a: {  	_ =	shalt  }
0x4b: {  	_ =	shalt  }
0x4c: {  	_ =	shalt  }
0x4d: {  	_ =	shalt  }
0x4e: {  	_ =	shalt  }
0x4f: {  	_ =	shalt  }
0x50: {  	_ =	shalt  }
0x51: {  	_ =	shalt  }
0x52: {  	_ =	shalt  }
0x53: {  	_ =	shalt  }
0x54: {  	_ =	shalt  }
0x55: {  	_ =	shalt  }
0x56: {  	_ =	shalt  }
0x57: {  	_ =	shalt  }
0x58: {  	_ =	shalt  }
0x59: {  	_ =	shalt  }
0x5a: {  	_ =	shalt  }
0x5b: {  	_ =	shalt  }
0x5c: {  	_ =	shalt  }
0x5d: {  	_ =	shalt  }
0x5e: {  	_ =	shalt  }
0x5f: {  	_ =	shalt  }
0x60: {  	_ =	shalt  }
0x61: {  	_ =	shalt  }
0x62: {  	_ =	shalt  }
0x63: {  	_ =	shalt  }
0x64: {  	_ =	shalt  }
0x65: {  	_ =	shalt  }
0x66: {  	_ =	shalt  }
0x67: {  	_ =	shalt  }
0x68: {  	_ =	shalt  }
0x69: {  	_ =	shalt  }
0x6a: {  	_ =	shalt  }
0x6b: {  	_ =	shalt  }
0x6c: {  	_ =	shalt  }
0x6d: {  	_ =	shalt  }
0x6e: {  	_ =	shalt  }
0x6f: {  	_ =	shalt  }
0x70: {  	_ =	shalt  }
0x71: {  	_ =	shalt  }
0x72: {  	_ =	shalt  }
0x73: {  	_ =	shalt  }
0x74: {  	_ =	shalt  }
0x75: {  	_ =	shalt  }
0x76: {  	_ =	shalt  }
0x77: {  	_ =	shalt  }
0x78: {  	_ =	shalt  }
0x79: {  	_ =	shalt  }
0x7a: {  	_ =	shalt  }
0x7b: {  	_ =	shalt  }
0x7c: {  	_ =	shalt  }
0x7d: {  	_ =	shalt  }
0x7e: {  	_ =	shalt  }
0x7f: {  	_ =	shalt  }
0x80: {  	_ =	shalt  }
0x81: {  	_ =	shalt  }
0x82: {  	_ =	shalt  }
0x83: {  	_ =	shalt  }
0x84: {  	_ =	shalt  }
0x85: {  	_ =	shalt  }
0x86: {  	_ =	shalt  }
0x87: {  	_ =	shalt  }
.Lfunc_end0:
.L_simem_size_0:
called_computation_lowered:
.L_overlay_start_0:
0x88: {  	s2 =	sld [smem:$0x3FD9]  }
0x89: {  	s3 =	sld [smem:$0x3FFE];
	_ =	sdelay $0x1  }
0x8a: {  	s1 =	srdreg.scid  }
0x8b: {  	s0 =	sand.u32 $0x1, s1  }
0x8c: {  	s17 =	sshll.u32 s0, $0xA;
	s2 =	sadd.s32 s3, s2  }
0x8d: {  	s2 =	sadd.s32 s2, s17  }
0x8e: {  	[smem:$0x3FC6] =	sst s2  }
0x8f: {  	_ = 	snop  }
0x90: {  	s2 =	sld [smem:$0x3FD0];
	(tm) =	ssettm $0x1  }
0x91: {  	s18 =	sld [smem:$0x3FFB];
	_ =	sdelay $0x3  }
0x92: {  	_ =	strace s18  }
0x93: {  	s3 =	sld [smem:$0x3FFC];
	_ =	sdelay $0x3  }
0x94: {  	_ =	strace s3  }
0x95: {  	s3 =	sld [smem:$0x3FFD];
	_ =	sdelay $0x3  }
0x96: {  	_ =	strace s3  }
0x97: {  	_ =	strace $0x8FFFFFFF  }
0x98: {  	s19 =	sld [smem:$0x3FDB];
	_ =	sdelay $0x1  }
0x99: {  	s4 =	simm.s32 $_scs_section_size  }
0x9a: {  	s5 =	simm.s32 $_size__tile_overlayer_lowered;
	s6 =	simm.s32 $_tile_overlayer_lowered  }
0x9b: {  	s22 =	simm.s32 $0x1BFF;
	s21 =	sshll.u32 s6, $0x1;
	s3 =	sadd.s32 s4, s19  }
0x9c: {  	s7 =	simm.s32 $0x0;
	s20 =	sshll.u32 s5, $0x1;
	s5 =	sadd.s32 s21, s3  }
0x9d: {  	[timem:s7], [sflag:s22] =	dma.local [hbm:s5], s20  }
0x9e: {  	_ =	swait.ge [sflag:s22], s20  }
0x9f: {  	s4 =	ssub.s32 $0x0, s20;
	[sflag:s22] =	ssyncset.done $0x0  }
0xa0: {  	[sflag:s22] =	ssyncadd.s32 s4;
	_ =	sdelay $0x1  }
0xa1: {  	s23 =	simm.s32 $0x1B8B  }
0xa2: {  	_ =	swait.ge [sflag:s23], $0x1  }
0xa3: {  	[sflag:s23] =	ssyncset.done $0x0  }
0xa4: {  	s25 =	simm.s32 $0x1B8E;
	s24 =	sld [smem:$0x3FFE];
	[sflag:s23] =	ssyncadd.s32 $0xFFFFFFFF  }
0xa5: {  	s26 =	simm.s32 $execute0_lowered;
	[smem:$0x3FD2] =	sst s25  }
0xa6: {  	s5 =	sshll.u32 s26, $0x1;
	_ =	strace $0x80000046;
	[dreg:$0x1] =	wrdreg $0xFFFFFFFF  }
0xa7: {  	s28 =	simm.s32 $_size_execute0_lowered;
	s3 =	sadd.s32 s3, s5;
	[dreg:$0x0] =	wrdreg $0x0  }
0xa8: {  	s5 =	sshll.u32 s28, $0x1;
	[dreg:$0x2] =	wrdreg s3  }
0xa9: {  	[dreg:$0x3] =	wrdreg s5  }
0xaa: {  	[dreg:$0x4] =	wrdreg $0xC0  }
0xab: {  	_ =	task [dreg:s7], $0x5FFFF  }
0xac: {  	[dreg:$0x1] =	wrdreg $0xFFFFFFFF  }
0xad: {  	[dreg:$0x0] =	wrdreg $0x60  }
0xae: {  	[dreg:$0x2] =	wrdreg s24  }
0xaf: {  	[dreg:$0x3] =	wrdreg s2  }
0xb0: {  	[dreg:$0x4] =	wrdreg $0x9  }
0xb1: {  	_ =	task.clear_ibuf [dreg:s7], $0x5FFFF;
	_ =	strace $0x90000046  }
0xb2: {  	s29 =	simm.s32 $0x9;
	_ =	strace $0x80000048  }
0xb3: {  	_ =	swait.ge [sflag:s29], $0x1  }
0xb4: {  	[sflag:s29] =	ssyncadd.s32 $0xFFFFFFFF  }
0xb5: {  	_ =	strace $0x90000048  }
0xb6: {  	_ =	sfence  }
0xb7: {  	s30 =	sld [smem:$0x0];
	_ =	sdelay $0x2  }
0xb8: {  	s31 =	sshll.u32 s1, $0xD;
	s1 =	sshrl.u32 s1, $0x2  }
0xb9: {  	s3 =	sand.u32 $0x4000, s31;
	s1 =	sadd.s32 s1, s30  }
0xba: {  	s0 =	sor.u32 s3, s0;
	s1 =	sshll.u32 s1, $0x11  }
0xbb: {  	s0 =	sor.u32 s1, s0  }
0xbc: {  	s0 =	sadd.s32 $0x8F2B, s0  }
0xbd: {  	[sflag:s0] =	ssyncadd.remote.s32 $0x1  }
0xbe: {  	_ =	sfence.sel $0xFFFF  }
0xbf: {  	[dreg:$0x0] =	wrdreg $0xFFFFFFFF;
	(pc) =	sbr.abs _section_cstart, $3  }
0xc0: {  	[dreg:$0x1] =	wrdreg $0xFFFFFFFF  }
0xc1: {  	_ =	task.clear_ibuf [dreg:s7], $0x2FFFF;
	_ =	strace $0x9FFFFFFF  }
0xc2: {  	(tm) =	ssettm $0x7FFFFFFF  }
0xc3: {  	_ =	shalt  }
tec
execute0_lowered:
.L_overlay_start_1:
0x0: {  	(tag) =	ssettag $0x1  }
0x1: {  	s0 =	rddreg [dreg:$0x0]  }
0x2: {  	s1 =	rddreg [dreg:$0x1];
	s2 =	simm.s32 $0x0  }
0x3: {  	s3 =	srdreg.scid;
	[smem:$0x7FF] =	sst s2;
	s22 =	sadd.s32 $0x600, s0  }
0x4: {  	s24 =	sadd.s32 $0x13D6800, s0;
	_ =	strace $0x80000047;
	[dreg:$0x3] =	wrdreg s22  }
0x5: {  	s21 =	stileid.u32;
	s25 =	sadd.s32 $0x700, s0;
	[dreg:$0x5] =	wrdreg s24  }
0x6: {  	s3 =	sand.u32 $0x1, s3;
	s26 =	sadd.s32 $0x800, s0;
	[dreg:$0x7] =	wrdreg s25  }
0x7: {  	s5 =	sshll.u32 s21, $0x6;
	s28 =	sadd.s32 $0x900, s0;
	[dreg:$0x8] =	wrdreg s26  }
0x8: {  	s29 =	sadd.s32 $0xA00, s0;
	s30 =	sadd.s32 $0xB00, s0;
	[dreg:$0x9] =	wrdreg s28  }
0x9: {  	s0 =	sadd.s32 $0xC00, s0;
	s6 =	sshll.u32 s3, $0x5;
	[dreg:$0xa] =	wrdreg s29  }
0xa: {  	s4 =	ssub.s32 $0x2, s3;
	[dreg:$0xb] =	wrdreg s30;
	s23 =	sor.u32 s6, s5  }
0xb: {  	[dreg:$0xc] =	wrdreg s0;
	s7 =	sshrl.u32 s4, $0x1;
	s6 =	sshll.u32 s23, $0x4  }
0xc: {  	v2 =	vlaneseq.u32;
	s4 =	ssub.s32 s4, s7;
	[dreg:$0x4] =	wrdreg s23;
	s1 =	sadd.s32 s1, s6  }
0xd: {  	vm0 =	vmmov $0xffff;
	vm1 =	vmmov $0xff;
	v1 =	vshrl.u32 v2, $0x3;
	s31 =	smax.u32 s4, $0x1;
	[dreg:$0x6] =	wrdreg s1  }
0xe: {  	v0 =	vand.u32 $0x7, v2;
	v2 =	vor.u32 $0x8, v2;
	s2 =	simm.s32 $0x0;
	v1 =	vmul.u32 $0x8, v1;
	[dreg:$0xd] =	wrdreg s31  }
.LBB2_1:
0xf: {  	[dreg:$0xe] =	wrdreg s2  }
0x10: {  	s0 =	simm.s32 $0x0;
	s1 =	rddreg [dreg:$0x6];
	s8 =	simm.s32 $0x5  }
0x11: {  	[tilespmem:s0], [sflag:$0x5] =	stream.linear.gather [hbm4b:s1+s0], $0x1000, $0x38;
	[tilespmem:$0x15500] =	vst v63  }
0x12: {  	_ =	swait.ge [sflag:s8], $0x1000  }
0x13: {  	[sflag:s8] =	ssyncset.done $0x0  }
0x14: {  	[sflag:s8] =	ssyncadd.s32 $0xFFFFF000  }
0x15: {  	v3 =	vld [tilespmem:$0x0];
	_ =	sdelay $0x4  }
0x16: {  	v4 =	vshrl.u32 v3, $0x3  }
0x17: {  	v4 =	vmul.u32 $0x68, v4  }
0x18: {  	v3 =	vand.u32 $0x7, v3  }
0x19: {  	v3 =	vor.u32 v3, v4  }
0x1a: {  	v4 =	vperm.xlane v3, v0;
	_ =	sdelay $0x1  }
0x1b: {  	v4 =	vadd.s32 v1, v4;
	_ =	sdelay $0x3  }
0x1c: {  	s10 =	simm.s32 $0x1000;
	s9 =	rddreg [dreg:$0x3]  }
0x1d: {  	[tilespmem:s10], [sflag:$0x1] =	stream.indirect_vreg.gather [hbm4b:s9+s0], $0x80, v4, vm0, $0xb8;
	[tilespmem:$0x15500] =	vst v63  }
0x1e: {  	s3 =	simm.s32 $0x1800;
	s11 =	rddreg [dreg:$0x7]  }
0x1f: {  	[tilespmem:s3], [sflag:$0x1] =	stream.indirect_vreg.gather [hbm4b:s11+s0], $0x80, v4, vm0, $0xb8;
	[tilespmem:$0x15500] =	vst v63  }
0x20: {  	s4 =	simm.s32 $0x2000;
	s12 =	rddreg [dreg:$0x8]  }
0x21: {  	[tilespmem:s4], [sflag:$0x1] =	stream.indirect_vreg.gather [hbm4b:s12+s0], $0x80, v4, vm0, $0xb8;
	[tilespmem:$0x15500] =	vst v63  }
0x22: {  	s5 =	simm.s32 $0x2800;
	s13 =	rddreg [dreg:$0x9]  }
0x23: {  	[tilespmem:s5], [sflag:$0x1] =	stream.indirect_vreg.gather [hbm4b:s13+s0], $0x80, v4, vm0, $0xb8;
	[tilespmem:$0x15500] =	vst v63  }
0x24: {  	s6 =	simm.s32 $0x3000;
	s14 =	rddreg [dreg:$0xa];
	v3 =	vperm.xlane v3, v2  }
0x25: {  	[tilespmem:s6], [sflag:$0x1] =	stream.indirect_vreg.gather [hbm4b:s14+s0], $0x80, v4, vm0, $0xb8;
	[tilespmem:$0x15500] =	vst v63  }
0x26: {  	s7 =	simm.s32 $0x3800;
	s15 =	rddreg [dreg:$0xb];
	v3 =	vadd.s32 v1, v3  }
0x27: {  	[tilespmem:s7], [sflag:$0x1] =	stream.indirect_vreg.gather [hbm4b:s15+s0], $0x80, v4, vm0, $0xb8;
	[tilespmem:$0x15500] =	vst v63  }
0x28: {  	s16 =	rddreg [dreg:$0xc];
	s8 =	simm.s32 $0x4000  }
0x29: {  	[tilespmem:s8], [sflag:$0x1] =	stream.indirect_vreg.gather [hbm4b:s16+s0], $0x80, v4, vm1, $0xb8;
	[tilespmem:$0x15500] =	vst v63  }
0x2a: {  	s17 =	simm.s32 $0x4400  }
0x2b: {  	[tilespmem:s17], [sflag:$0x1] =	stream.indirect_vreg.gather [hbm4b:s9+s0], $0x80, v3, vm0, $0xb8;
	[tilespmem:$0x15500] =	vst v63  }
0x2c: {  	s18 =	simm.s32 $0x4C00  }
0x2d: {  	[tilespmem:s18], [sflag:$0x1] =	stream.indirect_vreg.gather [hbm4b:s11+s0], $0x80, v3, vm0, $0xb8;
	[tilespmem:$0x15500] =	vst v63  }
0x2e: {  	s19 =	simm.s32 $0x5400  }
0x2f: {  	[tilespmem:s19], [sflag:$0x1] =	stream.indirect_vreg.gather [hbm4b:s12+s0], $0x80, v3, vm0, $0xb8;
	[tilespmem:$0x15500] =	vst v63  }
0x30: {  	s20 =	simm.s32 $0x5C00  }
0x31: {  	[tilespmem:s20], [sflag:$0x1] =	stream.indirect_vreg.gather [hbm4b:s13+s0], $0x80, v3, vm0, $0xb8;
	[tilespmem:$0x15500] =	vst v63  }
0x32: {  	s21 =	simm.s32 $0x6400  }
0x33: {  	[tilespmem:s21], [sflag:$0x1] =	stream.indirect_vreg.gather [hbm4b:s14+s0], $0x80, v3, vm0, $0xb8;
	[tilespmem:$0x15500] =	vst v63  }
0x34: {  	s22 =	simm.s32 $0x6C00  }
0x35: {  	[tilespmem:s22], [sflag:$0x1] =	stream.indirect_vreg.gather [hbm4b:s15+s0], $0x80, v3, vm0, $0xb8;
	[tilespmem:$0x15500] =	vst v63  }
0x36: {  	s23 =	simm.s32 $0x7400  }
0x37: {  	[tilespmem:s23], [sflag:$0x1] =	stream.indirect_vreg.gather [hbm4b:s16+s0], $0x80, v3, vm1, $0xb8;
	[tilespmem:$0x15500] =	vst v63  }
0x38: {  	v3 =	vld.msk [tilespmem:$0x10], $0xff;
	_ =	sdelay $0x4  }
0x39: {  	v63 =	vshrl.u32 v3, $0x3  }
0x3a: {  	v4 =	vmul.u32 $0x68, v63  }
0x3b: {  	v3 =	vand.u32 $0x7, v3  }
0x3c: {  	v3 =	vor.u32 v3, v4  }
0x3d: {  	v3 =	vperm.xlane v3, v0;
	_ =	sdelay $0x1  }
0x3e: {  	v3 =	vadd.s32 v1, v3;
	_ =	sdelay $0x3  }
0x3f: {  	s24 =	simm.s32 $0x7800  }
0x40: {  	[tilespmem:s24], [sflag:$0x1] =	stream.indirect_vreg.gather [hbm4b:s9+s0], $0x80, v3, vm0, $0xb8;
	[tilespmem:$0x15500] =	vst v63  }
0x41: {  	s25 =	simm.s32 $0x8000  }
0x42: {  	[tilespmem:s25], [sflag:$0x1] =	stream.indirect_vreg.gather [hbm4b:s11+s0], $0x80, v3, vm0, $0xb8;
	[tilespmem:$0x15500] =	vst v63  }
0x43: {  	s26 =	simm.s32 $0x8800  }
0x44: {  	[tilespmem:s26], [sflag:$0x1] =	stream.indirect_vreg.gather [hbm4b:s12+s0], $0x80, v3, vm0, $0xb8;
	[tilespmem:$0x15500] =	vst v63  }
0x45: {  	s28 =	simm.s32 $0x9000  }
0x46: {  	[tilespmem:s28], [sflag:$0x1] =	stream.indirect_vreg.gather [hbm4b:s13+s0], $0x80, v3, vm0, $0xb8;
	[tilespmem:$0x15500] =	vst v63  }
0x47: {  	s29 =	simm.s32 $0x9800  }
0x48: {  	[tilespmem:s29], [sflag:$0x1] =	stream.indirect_vreg.gather [hbm4b:s14+s0], $0x80, v3, vm0, $0xb8;
	[tilespmem:$0x15500] =	vst v63  }
0x49: {  	s30 =	simm.s32 $0xA000  }
0x4a: {  	[tilespmem:s30], [sflag:$0x1] =	stream.indirect_vreg.gather [hbm4b:s15+s0], $0x80, v3, vm0, $0xb8;
	[tilespmem:$0x15500] =	vst v63  }
0x4b: {  	s31 =	simm.s32 $0xA800;
	s10 =	simm.s32 $0x0  }
0x4c: {  	[tilespmem:s31], [sflag:$0x1] =	stream.indirect_vreg.gather [hbm4b:s16+s0], $0x80, v3, vm1, $0xb8;
	[tilespmem:$0x15500] =	vst v63  }
.LBB2_2:
0x4d: {  	s0 =	sshllo.u32 s10, $0x1  }
0x4e: {  	s0 =	sshll.u32 s0, $0x7  }
0x4f: {  	[dreg:$0x10] =	wrdreg s0;
	s0 =	sand.u32 $0x3FFFFF80, s0  }
0x50: {  	v3 =	vld [tilespmem:s0+$0x0];
	_ =	sdelay $0x4  }
0x51: {  	v4 =	vshrl.u32 v3, $0x3  }
0x52: {  	v4 =	vmul.u32 $0x68, v4  }
0x53: {  	v3 =	vand.u32 $0x7, v3  }
0x54: {  	v3 =	vor.u32 v3, v4  }
0x55: {  	v4 =	vperm.xlane v3, v0;
	_ =	sdelay $0x1  }
0x56: {  	v4 =	vadd.s32 v1, v4;
	_ =	sdelay $0x3  }
0x57: {  	s1 =	simm.s32 $0x0;
	s2 =	rddreg [dreg:$0x3];
	s3 =	simm.s32 $0xAC00  }
0x58: {  	[tilespmem:s3], [sflag:$0x2] =	stream.indirect_vreg.gather [hbm4b:s2+s1], $0x80, v4, vm0, $0xb8;
	[tilespmem:$0x15500] =	vst v63  }
0x59: {  	s25 =	rddreg [dreg:$0x7];
	s4 =	simm.s32 $0xB400  }
0x5a: {  	[tilespmem:s4], [sflag:$0x2] =	stream.indirect_vreg.gather [hbm4b:s25+s1], $0x80, v4, vm0, $0xb8;
	[tilespmem:$0x15500] =	vst v63  }
0x5b: {  	s26 =	rddreg [dreg:$0x8];
	s5 =	simm.s32 $0xBC00  }
0x5c: {  	[tilespmem:s5], [sflag:$0x2] =	stream.indirect_vreg.gather [hbm4b:s26+s1], $0x80, v4, vm0, $0xb8;
	[tilespmem:$0x15500] =	vst v63  }
0x5d: {  	s28 =	rddreg [dreg:$0x9];
	s6 =	simm.s32 $0xC400  }
0x5e: {  	[tilespmem:s6], [sflag:$0x2] =	stream.indirect_vreg.gather [hbm4b:s28+s1], $0x80, v4, vm0, $0xb8;
	[tilespmem:$0x15500] =	vst v63  }
0x5f: {  	s29 =	rddreg [dreg:$0xa];
	s7 =	simm.s32 $0xCC00;
	v3 =	vperm.xlane v3, v2  }
0x60: {  	[tilespmem:s7], [sflag:$0x2] =	stream.indirect_vreg.gather [hbm4b:s29+s1], $0x80, v4, vm0, $0xb8;
	[tilespmem:$0x15500] =	vst v63  }
0x61: {  	s11 =	rddreg [dreg:$0xb];
	s8 =	simm.s32 $0xD400;
	v3 =	vadd.s32 v1, v3  }
0x62: {  	[tilespmem:s8], [sflag:$0x2] =	stream.indirect_vreg.gather [hbm4b:s11+s1], $0x80, v4, vm0, $0xb8;
	[tilespmem:$0x15500] =	vst v63  }
0x63: {  	s12 =	rddreg [dreg:$0xc];
	s9 =	simm.s32 $0xDC00  }
0x64: {  	[tilespmem:s9], [sflag:$0x2] =	stream.indirect_vreg.gather [hbm4b:s12+s1], $0x80, v4, vm1, $0xb8;
	[tilespmem:$0x15500] =	vst v63  }
0x65: {  	s13 =	simm.s32 $0xE000  }
0x66: {  	[tilespmem:s13], [sflag:$0x2] =	stream.indirect_vreg.gather [hbm4b:s2+s1], $0x80, v3, vm0, $0xb8;
	[tilespmem:$0x15500] =	vst v63  }
0x67: {  	s14 =	simm.s32 $0xE800  }
0x68: {  	[tilespmem:s14], [sflag:$0x2] =	stream.indirect_vreg.gather [hbm4b:s25+s1], $0x80, v3, vm0, $0xb8;
	[tilespmem:$0x15500] =	vst v63  }
0x69: {  	s15 =	simm.s32 $0xF000  }
0x6a: {  	[tilespmem:s15], [sflag:$0x2] =	stream.indirect_vreg.gather [hbm4b:s26+s1], $0x80, v3, vm0, $0xb8;
	[tilespmem:$0x15500] =	vst v63  }
0x6b: {  	s16 =	simm.s32 $0xF800  }
0x6c: {  	[tilespmem:s16], [sflag:$0x2] =	stream.indirect_vreg.gather [hbm4b:s28+s1], $0x80, v3, vm0, $0xb8;
	[tilespmem:$0x15500] =	vst v63  }
0x6d: {  	s17 =	simm.s32 $0x10000  }
0x6e: {  	[tilespmem:s17], [sflag:$0x2] =	stream.indirect_vreg.gather [hbm4b:s29+s1], $0x80, v3, vm0, $0xb8;
	[tilespmem:$0x15500] =	vst v63  }
0x6f: {  	s18 =	simm.s32 $0x10800  }
0x70: {  	[tilespmem:s18], [sflag:$0x2] =	stream.indirect_vreg.gather [hbm4b:s11+s1], $0x80, v3, vm0, $0xb8;
	[tilespmem:$0x15500] =	vst v63  }
0x71: {  	s19 =	simm.s32 $0x11000;
	s0 =	sor.u32 $0x10, s0  }
0x72: {  	[tilespmem:s19], [sflag:$0x2] =	stream.indirect_vreg.gather [hbm4b:s12+s1], $0x80, v3, vm1, $0xb8;
	[tilespmem:$0x15500] =	vst v63  }
0x73: {  	v3 =	vld.msk [tilespmem:s0+$0x0], $0xff;
	_ =	sdelay $0x4  }
0x74: {  	v54 =	vshrl.u32 v3, $0x3  }
0x75: {  	v4 =	vmul.u32 $0x68, v54  }
0x76: {  	v3 =	vand.u32 $0x7, v3  }
0x77: {  	v3 =	vor.u32 v3, v4  }
0x78: {  	v3 =	vperm.xlane v3, v0;
	_ =	sdelay $0x1  }
0x79: {  	v3 =	vadd.s32 v1, v3;
	_ =	sdelay $0x3  }
0x7a: {  	s20 =	simm.s32 $0x11400  }
0x7b: {  	[tilespmem:s20], [sflag:$0x2] =	stream.indirect_vreg.gather [hbm4b:s2+s1], $0x80, v3, vm0, $0xb8;
	[tilespmem:$0x15500] =	vst v63  }
0x7c: {  	s21 =	simm.s32 $0x11C00  }
0x7d: {  	[tilespmem:s21], [sflag:$0x2] =	stream.indirect_vreg.gather [hbm4b:s25+s1], $0x80, v3, vm0, $0xb8;
	[tilespmem:$0x15500] =	vst v63  }
0x7e: {  	s22 =	simm.s32 $0x12400  }
0x7f: {  	[tilespmem:s22], [sflag:$0x2] =	stream.indirect_vreg.gather [hbm4b:s26+s1], $0x80, v3, vm0, $0xb8;
	[tilespmem:$0x15500] =	vst v63  }
0x80: {  	s23 =	simm.s32 $0x12C00  }
0x81: {  	[tilespmem:s23], [sflag:$0x2] =	stream.indirect_vreg.gather [hbm4b:s28+s1], $0x80, v3, vm0, $0xb8;
	[tilespmem:$0x15500] =	vst v63  }
0x82: {  	s24 =	simm.s32 $0x13400  }
0x83: {  	[tilespmem:s24], [sflag:$0x2] =	stream.indirect_vreg.gather [hbm4b:s29+s1], $0x80, v3, vm0, $0xb8;
	[tilespmem:$0x15500] =	vst v63  }
0x84: {  	s25 =	simm.s32 $0x13C00  }
0x85: {  	[tilespmem:s25], [sflag:$0x2] =	stream.indirect_vreg.gather [hbm4b:s11+s1], $0x80, v3, vm0, $0xb8;
	[tilespmem:$0x15500] =	vst v63  }
0x86: {  	s26 =	simm.s32 $0x14400;
	s28 =	simm.s32 $0x1  }
0x87: {  	[tilespmem:s26], [sflag:$0x2] =	stream.indirect_vreg.gather [hbm4b:s12+s1], $0x80, v3, vm1, $0xb8;
	[tilespmem:$0x15500] =	vst v63  }
0x88: {  	_ =	swait.ge [sflag:s28], $0x9C00  }
0x89: {  	p0 =	seq.s32 s10, $0x0;
	[sflag:s28] =	ssyncset.done $0x0  }
0x8a: {  	s8 =	simm.s32 $0x0;
	s0 =	simm.s32 @!p0 $0x3;
	[sflag:s28] =	ssyncadd.s32 $0xFFFF6400  }
0x8b: {  	s14 =	sand.u32 $0x3C00, s8;
	_ =	swait.ge @!p0 [sflag:s0], $0x680  }
0x8c: {  	s4 =	sand.u32 $0x60, s8;
	s24 =	sadd.s32 $0x1000, s14;
	[sflag:s0] =	ssyncset.done @!p0 $0x0  }
0x8d: {  	s29 =	sor.u32 s4, s24;
	[sflag:s0] =	ssyncadd.s32 @!p0 $0xFFFFF980  }
0x8e: {  	v3 =	vld [tilespmem:s29+$0x80]  }
0x8f: {  	v55 =	vld [tilespmem:s29+$0x0]  }
0x90: {  	v5 =	vld [tilespmem:s29+$0x280]  }
0x91: {  	v6 =	vld [tilespmem:s29+$0x380]  }
0x92: {  	v7 =	vld [tilespmem:s29+$0x180]  }
0x93: {  	v8 =	vld [tilespmem:s29+$0x300]  }
0x94: {  	s15 =	sadd.s32 $0x4400, s14;
	v9 =	vld [tilespmem:s29+$0x100]  }
0x95: {  	s2 =	sor.u32 s4, s15;
	s1 =	sadd.s32 $0x4680, s14;
	v10 =	vld [tilespmem:s29+$0x200]  }
0x96: {  	s17 =	sadd.s32 $0x4500, s14;
	s3 =	sor.u32 s4, s1;
	v11 =	vld [tilespmem:s2+$0x0]  }
0x97: {  	s16 =	sadd.s32 $0x4700, s14;
	s5 =	sor.u32 s4, s17;
	v12 =	vld [tilespmem:s3+$0x0]  }
0x98: {  	s13 =	sor.u32 s4, s16;
	s18 =	sadd.s32 $0x4780, s14;
	v13 =	vld [tilespmem:s5+$0x0]  }
0x99: {  	s6 =	sadd.s32 $0x4600, s14;
	s19 =	sor.u32 s4, s18;
	v14 =	vld [tilespmem:s13+$0x0]  }
0x9a: {  	s7 =	sor.u32 s4, s6;
	s28 =	sadd.s32 $0x7980, s14;
	v15 =	vld [tilespmem:s19+$0x0]  }
0x9b: {  	s11 =	sor.u32 s4, s28;
	s0 =	sadd.s32 $0x4480, s14;
	v17 =	vld [tilespmem:s7+$0x0]  }
0x9c: {  	s20 =	sor.u32 s4, s0;
	s13 =	sadd.s32 $0x4580, s14;
	v19 =	vld [tilespmem:s11+$0x0]  }
0x9d: {  	s21 =	sadd.s32 $0x7900, s14;
	v16 =	vld [tilespmem:s20+$0x0];
	s9 =	sor.u32 s4, s13  }
0x9e: {  	s22 =	sor.u32 s4, s21;
	s12 =	sadd.s32 $0x7880, s14;
	v18 =	vld [tilespmem:s9+$0x0]  }
0x9f: {  	s23 =	sadd.s32 $0x7800, s14;
	s25 =	sor.u32 s4, s12;
	v56 =	vld [tilespmem:s22+$0x0]  }
0xa0: {  	s26 =	sor.u32 s4, s23;
	v58 =	vld [tilespmem:s25+$0x0];
	v7 =	vadd.f32 v7, v9;
	v3 =	vadd.f32 v3, v55  }
0xa1: {  	v60 =	vld [tilespmem:s26+$0x0];
	v5 =	vadd.f32 v5, v10;
	v57 =	vadd.f32 v15, v14  }
0xa2: {  	v6 =	vadd.f32 v6, v8;
	v12 =	vadd.f32 v12, v17  }
0xa3: {  	v59 =	vadd.f32 v16, v11;
	v13 =	vadd.f32 v18, v13  }
0xa4: {  	v3 =	vadd.f32 v7, v3;
	v5 =	vadd.f32 v6, v5  }
0xa5: {  	v62 =	vadd.f32 v57, v12;
	v61 =	vadd.f32 v13, v59  }
0xa6: {  	v4 =	vadd.f32 v19, v56;
	v63 =	vadd.f32 v58, v60  }
0xa7: {  	v3 =	vadd.f32 v5, v3;
	v6 =	vadd.f32 v62, v61;
	_ =	sdelay $0x1  }
0xa8: {  	s30 =	simm.s32 $0x14800;
	s31 =	simm.s32 $0x20;
	[dreg:$0xf] =	wrdreg s10;
	v4 =	vadd.f32 v4, v63;
	v3 =	vadd.f32 v6, v3  }
0xa9: {  	s29 =	sshll.u32 s10, $0x1;
	s25 =	sor.u32 $0x10, s4;
	s7 =	simm.s32 $0x0  }
0xaa: {  	[dreg:$0x12] =	wrdreg s29;
	s20 =	sor.u32 s25, s16;
	s16 =	sor.u32 s25, s15;
	v3 =	vadd.f32 v4, v3  }
0xab: {  	s17 =	sor.u32 s25, s17;
	s19 =	sor.u32 s25, s18;
	s5 =	sor.u32 s25, s12  }
0xac: {  	s14 =	sor.u32 s25, s21;
	s4 =	sor.u32 s25, s28;
	s18 =	sor.u32 s25, s23;
	[tilespmem:s30+$0x0] =	vst v3  }
.LBB2_3:
0xad: {  	p1 =	sne.s32 s31, $0x660  }
0xae: {  	v3 =	vld [tilespmem:s19+$0x0];
	s21 =	sadd.s32 $0x100, s8;
	s30 =	sadd.s32 $0x20, s30;
	s2 =	smov.u32 s5  }
0xaf: {  	s5 =	sor.u32 s25, s1;
	s1 =	smov.u32 s31;
	s31 =	sadd.s32 $0x20, s31;
	v4 =	vld [tilespmem:s20+$0x0]  }
0xb0: {  	s6 =	sor.u32 s25, s6;
	v5 =	vld [tilespmem:s5+$0x0]  }
0xb1: {  	s5 =	sor.u32 s25, s13;
	v6 =	vld [tilespmem:s6+$0x0]  }
0xb2: {  	v7 =	vld [tilespmem:s5+$0x0]  }
0xb3: {  	s0 =	sor.u32 s25, s0;
	v8 =	vld [tilespmem:s17+$0x0]  }
0xb4: {  	v9 =	vld [tilespmem:s0+$0x0]  }
0xb5: {  	s0 =	sor.u32 s25, s24;
	v10 =	vld [tilespmem:s16+$0x0]  }
0xb6: {  	v11 =	vld [tilespmem:s0+$0x380];
	v5 =	vadd.f32 v5, v6  }
0xb7: {  	v6 =	vld [tilespmem:s0+$0x300]  }
0xb8: {  	v12 =	vld [tilespmem:s0+$0x280];
	v7 =	vadd.f32 v7, v8  }
0xb9: {  	v3 =	vadd.f32 v3, v4;
	v8 =	vld [tilespmem:s0+$0x200]  }
0xba: {  	v4 =	vld [tilespmem:s0+$0x180];
	v9 =	vadd.f32 v9, v10  }
0xbb: {  	v3 =	vadd.f32 v3, v5;
	v10 =	vld [tilespmem:s0+$0x100]  }
0xbc: {  	v5 =	vld [tilespmem:s0+$0x80];
	v6 =	vadd.f32 v11, v6;
	v7 =	vadd.f32 v7, v9  }
0xbd: {  	v9 =	vld [tilespmem:s0+$0x0]  }
0xbe: {  	v11 =	vld [tilespmem:s4+$0x0];
	v8 =	vadd.f32 v12, v8;
	v3 =	vadd.f32 v3, v7  }
0xbf: {  	v7 =	vld [tilespmem:s14+$0x0]  }
0xc0: {  	v12 =	vld [tilespmem:s2+$0x0];
	v4 =	vadd.f32 v4, v10;
	v6 =	vadd.f32 v6, v8  }
0xc1: {  	v8 =	vld [tilespmem:s18+$0x0]  }
0xc2: {  	v5 =	vadd.f32 v5, v9;
	_ =	sdelay $0x1  }
0xc3: {  	v7 =	vadd.f32 v11, v7;
	v4 =	vadd.f32 v4, v5;
	_ =	sdelay $0x1  }
0xc4: {  	v5 =	vadd.f32 v12, v8;
	v4 =	vadd.f32 v6, v4;
	_ =	sdelay $0x1  }
0xc5: {  	v5 =	vadd.f32 v7, v5;
	v3 =	vadd.f32 v3, v4  }
0xc6: {  	s0 =	sand.u32 $0x780, s7;
	s7 =	smov.u32 s1  }
0xc7: {  	s15 =	sand.u32 $0x60, s7;
	s4 =	sand.u32 $0x3C00, s21;
	s0 =	sor.u32 s25, s0;
	v3 =	vadd.f32 v5, v3  }
0xc8: {  	s24 =	sadd.s32 $0x1000, s4;
	s5 =	sadd.s32 $0x4400, s4;
	s25 =	sor.u32 $0x10, s15  }
0xc9: {  	s17 =	sadd.s32 $0x4500, s4;
	s14 =	sor.u32 s15, s24;
	s18 =	sadd.s32 $0x4780, s4;
	[tilespmem:s0+$0x14800] =	vst v3  }
0xca: {  	s6 =	sadd.s32 $0x4600, s4;
	s23 =	sor.u32 s15, s17;
	s3 =	sor.u32 s15, s18;
	v3 =	vld [tilespmem:s14+$0x80]  }
0xcb: {  	s13 =	sadd.s32 $0x4580, s4;
	s1 =	sadd.s32 $0x4680, s4;
	s0 =	sadd.s32 $0x4480, s4;
	v4 =	vld [tilespmem:s14+$0x0]  }
0xcc: {  	s29 =	sor.u32 s15, s13;
	s8 =	sor.u32 s15, s6;
	s9 =	sor.u32 s15, s1;
	v5 =	vld [tilespmem:s14+$0x280]  }
0xcd: {  	s16 =	sadd.s32 $0x4700, s4;
	s11 =	sadd.s32 $0x7980, s4;
	s10 =	sor.u32 s15, s0;
	v6 =	vld [tilespmem:s14+$0x380]  }
0xce: {  	s26 =	sadd.s32 $0x7880, s4;
	s22 =	sadd.s32 $0x7900, s4;
	s12 =	sor.u32 s15, s16;
	v7 =	vld [tilespmem:s14+$0x180]  }
0xcf: {  	s28 =	sadd.s32 $0x7800, s4;
	s2 =	sor.u32 s15, s5;
	s20 =	sor.u32 s25, s16;
	v8 =	vld [tilespmem:s14+$0x300]  }
0xd0: {  	s16 =	sor.u32 s25, s5;
	s17 =	sor.u32 s25, s17;
	s19 =	sor.u32 s25, s18;
	v9 =	vld [tilespmem:s14+$0x100]  }
0xd1: {  	s5 =	sor.u32 s25, s26;
	s4 =	sor.u32 s25, s11;
	v10 =	vld [tilespmem:s14+$0x200];
	s14 =	sor.u32 s25, s22  }
0xd2: {  	s18 =	sor.u32 s25, s28;
	v11 =	vld [tilespmem:s2+$0x0]  }
0xd3: {  	v12 =	vld [tilespmem:s9+$0x0]  }
0xd4: {  	v13 =	vld [tilespmem:s23+$0x0]  }
0xd5: {  	v14 =	vld [tilespmem:s12+$0x0];
	v7 =	vadd.f32 v7, v9  }
0xd6: {  	v3 =	vadd.f32 v3, v4;
	v9 =	vld [tilespmem:s3+$0x0];
	v4 =	vadd.f32 v5, v10  }
0xd7: {  	v5 =	vld [tilespmem:s10+$0x0]  }
0xd8: {  	v3 =	vadd.f32 v7, v3;
	v10 =	vld [tilespmem:s8+$0x0];
	s8 =	smov.u32 s21  }
0xd9: {  	s2 =	sor.u32 s15, s11;
	v7 =	vld [tilespmem:s29+$0x0]  }
0xda: {  	s3 =	sor.u32 s15, s22;
	v15 =	vld [tilespmem:s2+$0x0]  }
0xdb: {  	s2 =	sor.u32 s15, s26;
	v16 =	vld [tilespmem:s3+$0x0];
	v9 =	vadd.f32 v9, v14  }
0xdc: {  	v6 =	vadd.f32 v6, v8;
	s3 =	sor.u32 s15, s28;
	v14 =	vld [tilespmem:s2+$0x0];
	v5 =	vadd.f32 v5, v11  }
0xdd: {  	v8 =	vld [tilespmem:s3+$0x0];
	v10 =	vadd.f32 v12, v10  }
0xde: {  	v4 =	vadd.f32 v6, v4;
	v7 =	vadd.f32 v7, v13;
	_ =	sdelay $0x1  }
0xdf: {  	v6 =	vadd.f32 v9, v10;
	v5 =	vadd.f32 v7, v5  }
0xe0: {  	v3 =	vadd.f32 v4, v3;
	v7 =	vadd.f32 v15, v16  }
0xe1: {  	v4 =	vadd.f32 v14, v8;
	v5 =	vadd.f32 v6, v5;
	_ =	sdelay $0x1  }
.Ltmp0:
0xe2: {  	v4 =	vadd.f32 v7, v4;
	v3 =	vadd.f32 v5, v3;
	(pc) =	sbr.rel @p1 .LBB2_3-.Ltmp0, $3  }
0xe3: {  	_ = 	snop  }
0xe4: {  	v3 =	vadd.f32 v4, v3;
	_ =	sdelay $0x1  }
0xe5: {  	[tilespmem:s30+$0x0] =	vst v3  }
0xe6: {  	v3 =	vld [tilespmem:s19+$0x0]  }
0xe7: {  	v4 =	vld [tilespmem:s20+$0x0]  }
0xe8: {  	v8 =	vld [tilespmem:s17+$0x0]  }
0xe9: {  	v10 =	vld [tilespmem:s16+$0x0]  }
0xea: {  	s1 =	sor.u32 s25, s1;
	v19 =	vld [tilespmem:s4+$0x0]  }
0xeb: {  	s2 =	sor.u32 s25, s6;
	v5 =	vld [tilespmem:s1+$0x0]  }
0xec: {  	s19 =	sor.u32 s25, s13;
	v6 =	vld [tilespmem:s2+$0x0]  }
0xed: {  	s0 =	sor.u32 s25, s0;
	v7 =	vld [tilespmem:s19+$0x0]  }
0xee: {  	s20 =	sor.u32 s25, s24;
	v9 =	vld [tilespmem:s0+$0x0]  }
0xef: {  	v11 =	vld [tilespmem:s20+$0x380]  }
0xf0: {  	v12 =	vld [tilespmem:s20+$0x300]  }
0xf1: {  	v13 =	vld [tilespmem:s20+$0x280]  }
0xf2: {  	v14 =	vld [tilespmem:s20+$0x200]  }
0xf3: {  	v15 =	vld [tilespmem:s20+$0x180]  }
0xf4: {  	v16 =	vld [tilespmem:s20+$0x100]  }
0xf5: {  	v17 =	vld [tilespmem:s20+$0x80]  }
0xf6: {  	v18 =	vld [tilespmem:s20+$0x0]  }
0xf7: {  	v52 =	vld [tilespmem:s14+$0x0]  }
0xf8: {  	v54 =	vld [tilespmem:s5+$0x0];
	v3 =	vadd.f32 v3, v4;
	v5 =	vadd.f32 v5, v6  }
0xf9: {  	v57 =	vld [tilespmem:s18+$0x0];
	v51 =	vadd.f32 v7, v8;
	v53 =	vadd.f32 v9, v10  }
0xfa: {  	v55 =	vadd.f32 v11, v12;
	v56 =	vadd.f32 v13, v14  }
0xfb: {  	v58 =	vadd.f32 v15, v16;
	v59 =	vadd.f32 v17, v18  }
0xfc: {  	v3 =	vadd.f32 v3, v5;
	v4 =	vadd.f32 v51, v53  }
0xfd: {  	s21 =	rddreg [dreg:$0x4];
	v60 =	vadd.f32 v55, v56;
	v61 =	vadd.f32 v58, v59  }
0xfe: {  	s22 =	rddreg [dreg:$0x12];
	v62 =	vadd.f32 v19, v52;
	v63 =	vadd.f32 v54, v57  }
0xff: {  	s0 =	sor.u32 s21, s22;
	v3 =	vadd.f32 v3, v4;
	v5 =	vadd.f32 v60, v61  }
0x100: {  	s23 =	rddreg [dreg:$0xf];
	s0 =	sshrl.u32 s0, $0x3  }
0x101: {  	p1 =	sne.s32 s23, $0xF;
	s3 =	smul.u32 $0x3400, s0;
	s0 =	sshll.u32 s23, $0x8;
	v4 =	vadd.f32 v62, v63;
	v3 =	vadd.f32 v3, v5  }
.Ltmp1:
0x102: {  	s26 =	sand.u32 $0x780, s7;
	s24 =	sand.u32 $0x300, s0;
	(pc) =	sbr.rel @p1 .LBB2_6-.Ltmp1, $4  }
0x103: {  	s28 =	rddreg [dreg:$0x5];
	s29 =	simm.s32 $0x80;
	s1 =	sor.u32 s24, s3;
	v3 =	vadd.f32 v4, v3  }
0x104: {  	s30 =	simm.s32 $0x400;
	s2 =	sor.u32 s25, s26;
	s1 =	sshrl.u32 s1, $0x3  }
0x105: {  	s31 =	simm.s32 $0x14800;
	[dreg:$0x11] =	wrdreg s3;
	s1 =	sadd.s32 s28, s1;
	[tilespmem:s2+$0x14800] =	vst v3  }
0x106: {  	[hbm4b:s1+s29] =	stream.strided.scatter [tilespmem:s31], [sflag:$0x3], $0x680, s30, s29, $0x38;
	[tilespmem:$0x15500] =	vst v63  }
.Ltmp2:
0x107: {  	(pc) =	sbr.rel .LBB2_7-.Ltmp2, $4  }
0x108: {  	s0 =	simm.s32 $0x2  }
0x109: {  	_ =	swait.ge [sflag:s0], $0x9C00  }
0x10a: {  	[sflag:s0] =	ssyncset.done $0x0  }
0x10b: {  	[sflag:s0] =	ssyncadd.s32 $0xFFFF6400  }
.LBB2_6:
0x10c: {  	s0 =	sand.u32 $0x3FFFFF00, s0  }
0x10d: {  	v3 =	vld [tilespmem:s0+$0x100];
	_ =	sdelay $0x4  }
0x10e: {  	v4 =	vshrl.u32 v3, $0x3  }
0x10f: {  	v4 =	vmul.u32 $0x68, v4  }
0x110: {  	v3 =	vand.u32 $0x7, v3  }
0x111: {  	v3 =	vor.u32 v3, v4  }
0x112: {  	v4 =	vperm.xlane v3, v0;
	_ =	sdelay $0x1  }
0x113: {  	v4 =	vadd.s32 v1, v4;
	_ =	sdelay $0x3  }
0x114: {  	s1 =	simm.s32 $0x0;
	s2 =	rddreg [dreg:$0x3];
	s3 =	simm.s32 $0x1000  }
0x115: {  	[tilespmem:s3], [sflag:$0x1] =	stream.indirect_vreg.gather [hbm4b:s2+s1], $0x80, v4, vm0, $0xb8;
	[tilespmem:$0x15500] =	vst v63  }
0x116: {  	s10 =	rddreg [dreg:$0x7];
	s4 =	simm.s32 $0x1800  }
0x117: {  	[tilespmem:s4], [sflag:$0x1] =	stream.indirect_vreg.gather [hbm4b:s10+s1], $0x80, v4, vm0, $0xb8;
	[tilespmem:$0x15500] =	vst v63  }
0x118: {  	s11 =	rddreg [dreg:$0x8];
	s5 =	simm.s32 $0x2000  }
0x119: {  	[tilespmem:s5], [sflag:$0x1] =	stream.indirect_vreg.gather [hbm4b:s11+s1], $0x80, v4, vm0, $0xb8;
	[tilespmem:$0x15500] =	vst v63  }
0x11a: {  	s12 =	rddreg [dreg:$0x9];
	s6 =	simm.s32 $0x2800  }
0x11b: {  	[tilespmem:s6], [sflag:$0x1] =	stream.indirect_vreg.gather [hbm4b:s12+s1], $0x80, v4, vm0, $0xb8;
	[tilespmem:$0x15500] =	vst v63  }
0x11c: {  	s13 =	rddreg [dreg:$0xa];
	s7 =	simm.s32 $0x3000;
	v3 =	vperm.xlane v3, v2  }
0x11d: {  	[tilespmem:s7], [sflag:$0x1] =	stream.indirect_vreg.gather [hbm4b:s13+s1], $0x80, v4, vm0, $0xb8;
	[tilespmem:$0x15500] =	vst v63  }
0x11e: {  	s14 =	rddreg [dreg:$0xb];
	s8 =	simm.s32 $0x3800;
	v3 =	vadd.s32 v1, v3  }
0x11f: {  	[tilespmem:s8], [sflag:$0x1] =	stream.indirect_vreg.gather [hbm4b:s14+s1], $0x80, v4, vm0, $0xb8;
	[tilespmem:$0x15500] =	vst v63  }
0x120: {  	s15 =	rddreg [dreg:$0xc];
	s9 =	simm.s32 $0x4000  }
0x121: {  	[tilespmem:s9], [sflag:$0x1] =	stream.indirect_vreg.gather [hbm4b:s15+s1], $0x80, v4, vm1, $0xb8;
	[tilespmem:$0x15500] =	vst v63  }
0x122: {  	s16 =	simm.s32 $0x4400  }
0x123: {  	[tilespmem:s16], [sflag:$0x1] =	stream.indirect_vreg.gather [hbm4b:s2+s1], $0x80, v3, vm0, $0xb8;
	[tilespmem:$0x15500] =	vst v63  }
0x124: {  	s17 =	simm.s32 $0x4C00  }
0x125: {  	[tilespmem:s17], [sflag:$0x1] =	stream.indirect_vreg.gather [hbm4b:s10+s1], $0x80, v3, vm0, $0xb8;
	[tilespmem:$0x15500] =	vst v63  }
0x126: {  	s18 =	simm.s32 $0x5400  }
0x127: {  	[tilespmem:s18], [sflag:$0x1] =	stream.indirect_vreg.gather [hbm4b:s11+s1], $0x80, v3, vm0, $0xb8;
	[tilespmem:$0x15500] =	vst v63  }
0x128: {  	s19 =	simm.s32 $0x5C00  }
0x129: {  	[tilespmem:s19], [sflag:$0x1] =	stream.indirect_vreg.gather [hbm4b:s12+s1], $0x80, v3, vm0, $0xb8;
	[tilespmem:$0x15500] =	vst v63  }
0x12a: {  	s20 =	simm.s32 $0x6400  }
0x12b: {  	[tilespmem:s20], [sflag:$0x1] =	stream.indirect_vreg.gather [hbm4b:s13+s1], $0x80, v3, vm0, $0xb8;
	[tilespmem:$0x15500] =	vst v63  }
0x12c: {  	s21 =	simm.s32 $0x6C00  }
0x12d: {  	[tilespmem:s21], [sflag:$0x1] =	stream.indirect_vreg.gather [hbm4b:s14+s1], $0x80, v3, vm0, $0xb8;
	[tilespmem:$0x15500] =	vst v63  }
0x12e: {  	s22 =	simm.s32 $0x7400  }
0x12f: {  	[tilespmem:s22], [sflag:$0x1] =	stream.indirect_vreg.gather [hbm4b:s15+s1], $0x80, v3, vm1, $0xb8;
	[tilespmem:$0x15500] =	vst v63  }
0x130: {  	v3 =	vld.msk [tilespmem:s0+$0x110], $0xff;
	_ =	sdelay $0x4  }
0x131: {  	v63 =	vshrl.u32 v3, $0x3  }
0x132: {  	v4 =	vmul.u32 $0x68, v63  }
0x133: {  	v3 =	vand.u32 $0x7, v3  }
0x134: {  	v3 =	vor.u32 v3, v4  }
0x135: {  	v3 =	vperm.xlane v3, v0;
	_ =	sdelay $0x1  }
0x136: {  	v3 =	vadd.s32 v1, v3;
	_ =	sdelay $0x3  }
0x137: {  	s23 =	simm.s32 $0x7800  }
0x138: {  	[tilespmem:s23], [sflag:$0x1] =	stream.indirect_vreg.gather [hbm4b:s2+s1], $0x80, v3, vm0, $0xb8;
	[tilespmem:$0x15500] =	vst v63  }
0x139: {  	s24 =	simm.s32 $0x8000  }
0x13a: {  	[tilespmem:s24], [sflag:$0x1] =	stream.indirect_vreg.gather [hbm4b:s10+s1], $0x80, v3, vm0, $0xb8;
	[tilespmem:$0x15500] =	vst v63  }
0x13b: {  	s25 =	simm.s32 $0x8800  }
0x13c: {  	[tilespmem:s25], [sflag:$0x1] =	stream.indirect_vreg.gather [hbm4b:s11+s1], $0x80, v3, vm0, $0xb8;
	[tilespmem:$0x15500] =	vst v63  }
0x13d: {  	s26 =	simm.s32 $0x9000  }
0x13e: {  	[tilespmem:s26], [sflag:$0x1] =	stream.indirect_vreg.gather [hbm4b:s12+s1], $0x80, v3, vm0, $0xb8;
	[tilespmem:$0x15500] =	vst v63  }
0x13f: {  	s28 =	simm.s32 $0x9800  }
0x140: {  	[tilespmem:s28], [sflag:$0x1] =	stream.indirect_vreg.gather [hbm4b:s13+s1], $0x80, v3, vm0, $0xb8;
	[tilespmem:$0x15500] =	vst v63  }
0x141: {  	s29 =	simm.s32 $0xA000  }
0x142: {  	[tilespmem:s29], [sflag:$0x1] =	stream.indirect_vreg.gather [hbm4b:s14+s1], $0x80, v3, vm0, $0xb8;
	[tilespmem:$0x15500] =	vst v63  }
.Ltmp3:
0x143: {  	s30 =	simm.s32 $0xA800;
	s31 =	simm.s32 $0x2;
	(pc) =	sbr.rel @p0 .LBB2_8-.Ltmp3, $4  }
0x144: {  	[tilespmem:s30], [sflag:$0x1] =	stream.indirect_vreg.gather [hbm4b:s15+s1], $0x80, v3, vm1, $0xb8;
	[tilespmem:$0x15500] =	vst v63  }
0x145: {  	_ =	swait.ge [sflag:s31], $0x9C00  }
0x146: {  	[sflag:s31] =	ssyncset.done $0x0  }
0x147: {  	[sflag:s31] =	ssyncadd.s32 $0xFFFF6400  }
.LBB2_7:
0x148: {  	s0 =	simm.s32 $0x4  }
0x149: {  	_ =	swait.ge [sflag:s0], $0x680  }
0x14a: {  	[sflag:s0] =	ssyncset.done $0x0  }
0x14b: {  	[sflag:s0] =	ssyncadd.s32 $0xFFFFF980  }
.LBB2_8:
0x14c: {  	s16 =	simm.s32 $0x0  }
0x14d: {  	s2 =	sand.u32 $0x3C00, s16  }
0x14e: {  	s4 =	sand.u32 $0x60, s16;
	s25 =	sadd.s32 $0xAC00, s2  }
0x14f: {  	s0 =	sor.u32 s4, s25  }
0x150: {  	v3 =	vld [tilespmem:s0+$0x80]  }
0x151: {  	v4 =	vld [tilespmem:s0+$0x0]  }
0x152: {  	v5 =	vld [tilespmem:s0+$0x280]  }
0x153: {  	v6 =	vld [tilespmem:s0+$0x380]  }
0x154: {  	v7 =	vld [tilespmem:s0+$0x180]  }
0x155: {  	v8 =	vld [tilespmem:s0+$0x300]  }
0x156: {  	s3 =	sadd.s32 $0xE000, s2;
	v9 =	vld [tilespmem:s0+$0x100]  }
0x157: {  	s1 =	sadd.s32 $0xE280, s2;
	s5 =	sor.u32 s4, s3;
	v10 =	vld [tilespmem:s0+$0x200]  }
0x158: {  	s7 =	sadd.s32 $0xE100, s2;
	s19 =	sor.u32 s4, s1;
	v11 =	vld [tilespmem:s5+$0x0]  }
0x159: {  	s8 =	sadd.s32 $0xE300, s2;
	s20 =	sor.u32 s4, s7;
	v12 =	vld [tilespmem:s19+$0x0]  }
0x15a: {  	s9 =	sadd.s32 $0xE380, s2;
	s6 =	sor.u32 s4, s8;
	v13 =	vld [tilespmem:s20+$0x0]  }
0x15b: {  	s13 =	sadd.s32 $0xE180, s2;
	s21 =	sor.u32 s4, s9;
	v14 =	vld [tilespmem:s6+$0x0]  }
0x15c: {  	s11 =	sadd.s32 $0x11580, s2;
	s23 =	sor.u32 s4, s13;
	v15 =	vld [tilespmem:s21+$0x0]  }
0x15d: {  	s26 =	sor.u32 s4, s11;
	s0 =	sadd.s32 $0xE080, s2;
	v18 =	vld [tilespmem:s23+$0x0]  }
0x15e: {  	s6 =	sadd.s32 $0xE200, s2;
	v19 =	vld [tilespmem:s26+$0x0];
	s10 =	sor.u32 s4, s0  }
0x15f: {  	s24 =	sadd.s32 $0x11500, s2;
	s22 =	sor.u32 s4, s6;
	v16 =	vld [tilespmem:s10+$0x0]  }
0x160: {  	s12 =	sadd.s32 $0x11480, s2;
	s14 =	sor.u32 s4, s24;
	v17 =	vld [tilespmem:s22+$0x0]  }
0x161: {  	s28 =	sor.u32 s4, s12;
	s2 =	sadd.s32 $0x11400, s2;
	v56 =	vld [tilespmem:s14+$0x0]  }
0x162: {  	v58 =	vld [tilespmem:s28+$0x0];
	s29 =	sor.u32 s4, s2;
	v7 =	vadd.f32 v7, v9;
	v3 =	vadd.f32 v3, v4  }
0x163: {  	v60 =	vld [tilespmem:s29+$0x0];
	v5 =	vadd.f32 v5, v10;
	v57 =	vadd.f32 v15, v14  }
0x164: {  	v6 =	vadd.f32 v6, v8;
	v13 =	vadd.f32 v18, v13  }
0x165: {  	v59 =	vadd.f32 v16, v11;
	v12 =	vadd.f32 v12, v17  }
0x166: {  	v3 =	vadd.f32 v7, v3;
	v5 =	vadd.f32 v6, v5  }
0x167: {  	v61 =	vadd.f32 v13, v59;
	v62 =	vadd.f32 v57, v12  }
0x168: {  	v4 =	vadd.f32 v19, v56;
	v63 =	vadd.f32 v58, v60  }
0x169: {  	v3 =	vadd.f32 v5, v3;
	v6 =	vadd.f32 v62, v61;
	_ =	sdelay $0x1  }
0x16a: {  	v4 =	vadd.f32 v4, v63;
	v3 =	vadd.f32 v6, v3  }
0x16b: {  	s30 =	simm.s32 $0x14E80;
	s31 =	simm.s32 $0x20;
	s26 =	sor.u32 $0x10, s4  }
0x16c: {  	s21 =	simm.s32 $0x0;
	s20 =	sor.u32 s26, s8;
	s14 =	sor.u32 s26, s3;
	v3 =	vadd.f32 v4, v3  }
0x16d: {  	s17 =	sor.u32 s26, s7;
	s19 =	sor.u32 s26, s9;
	s8 =	sor.u32 s26, s12  }
0x16e: {  	s7 =	sor.u32 s26, s24;
	s4 =	sor.u32 s26, s11;
	s18 =	sor.u32 s26, s2;
	[tilespmem:s30+$0x0] =	vst v3  }
.LBB2_9:
0x16f: {  	p0 =	sne.s32 s31, $0x660;
	v3 =	vld [tilespmem:s19+$0x0];
	s16 =	sadd.s32 $0x100, s16;
	s30 =	sadd.s32 $0x20, s30  }
0x170: {  	s2 =	sor.u32 s26, s1;
	s1 =	smov.u32 s31;
	s31 =	sadd.s32 $0x20, s31;
	v4 =	vld [tilespmem:s20+$0x0]  }
0x171: {  	s3 =	sor.u32 s26, s6;
	v5 =	vld [tilespmem:s2+$0x0]  }
0x172: {  	s2 =	sor.u32 s26, s13;
	v6 =	vld [tilespmem:s3+$0x0]  }
0x173: {  	v7 =	vld [tilespmem:s2+$0x0]  }
0x174: {  	s0 =	sor.u32 s26, s0;
	v8 =	vld [tilespmem:s17+$0x0]  }
0x175: {  	v9 =	vld [tilespmem:s0+$0x0]  }
0x176: {  	s0 =	sor.u32 s26, s25;
	v10 =	vld [tilespmem:s14+$0x0]  }
0x177: {  	v11 =	vld [tilespmem:s0+$0x380];
	v5 =	vadd.f32 v5, v6  }
0x178: {  	v6 =	vld [tilespmem:s0+$0x300]  }
0x179: {  	v12 =	vld [tilespmem:s0+$0x280];
	v7 =	vadd.f32 v7, v8  }
0x17a: {  	v3 =	vadd.f32 v3, v4;
	v8 =	vld [tilespmem:s0+$0x200]  }
0x17b: {  	v4 =	vld [tilespmem:s0+$0x180];
	v9 =	vadd.f32 v9, v10  }
0x17c: {  	v3 =	vadd.f32 v3, v5;
	v10 =	vld [tilespmem:s0+$0x100]  }
0x17d: {  	v5 =	vld [tilespmem:s0+$0x80];
	v6 =	vadd.f32 v11, v6;
	v7 =	vadd.f32 v7, v9  }
0x17e: {  	v9 =	vld [tilespmem:s0+$0x0]  }
0x17f: {  	v11 =	vld [tilespmem:s4+$0x0];
	v8 =	vadd.f32 v12, v8;
	v3 =	vadd.f32 v3, v7  }
0x180: {  	v7 =	vld [tilespmem:s7+$0x0]  }
0x181: {  	v12 =	vld [tilespmem:s8+$0x0];
	v4 =	vadd.f32 v4, v10;
	v6 =	vadd.f32 v6, v8  }
0x182: {  	v8 =	vld [tilespmem:s18+$0x0]  }
0x183: {  	v5 =	vadd.f32 v5, v9;
	_ =	sdelay $0x1  }
0x184: {  	v7 =	vadd.f32 v11, v7;
	v4 =	vadd.f32 v4, v5;
	_ =	sdelay $0x1  }
0x185: {  	v5 =	vadd.f32 v12, v8;
	v4 =	vadd.f32 v6, v4;
	_ =	sdelay $0x1  }
0x186: {  	v5 =	vadd.f32 v7, v5;
	v3 =	vadd.f32 v3, v4  }
0x187: {  	s0 =	sand.u32 $0x780, s21;
	s21 =	smov.u32 s1  }
0x188: {  	s2 =	sand.u32 $0x3C00, s16;
	s15 =	sand.u32 $0x60, s21;
	s0 =	sor.u32 s26, s0;
	v3 =	vadd.f32 v5, v3  }
0x189: {  	s3 =	sadd.s32 $0xE000, s2;
	s25 =	sadd.s32 $0xAC00, s2;
	s26 =	sor.u32 $0x10, s15  }
0x18a: {  	s5 =	sadd.s32 $0xE100, s2;
	s4 =	sor.u32 s15, s25;
	s7 =	sadd.s32 $0xE380, s2;
	[tilespmem:s0+$0x14E80] =	vst v3  }
0x18b: {  	s6 =	sadd.s32 $0xE200, s2;
	s8 =	sor.u32 s15, s5;
	s9 =	sor.u32 s15, s7;
	v3 =	vld [tilespmem:s4+$0x80]  }
0x18c: {  	s13 =	sadd.s32 $0xE180, s2;
	s1 =	sadd.s32 $0xE280, s2;
	s0 =	sadd.s32 $0xE080, s2;
	v4 =	vld [tilespmem:s4+$0x0]  }
0x18d: {  	s10 =	sor.u32 s15, s13;
	s11 =	sor.u32 s15, s6;
	s12 =	sor.u32 s15, s1;
	v5 =	vld [tilespmem:s4+$0x280]  }
0x18e: {  	s23 =	sadd.s32 $0x11580, s2;
	s14 =	sadd.s32 $0xE300, s2;
	s22 =	sor.u32 s15, s0;
	v6 =	vld [tilespmem:s4+$0x380]  }
0x18f: {  	s28 =	sadd.s32 $0x11480, s2;
	s29 =	sadd.s32 $0x11500, s2;
	s24 =	sor.u32 s15, s14;
	v7 =	vld [tilespmem:s4+$0x180]  }
0x190: {  	s20 =	sor.u32 s26, s14;
	s18 =	sor.u32 s15, s3;
	s2 =	sadd.s32 $0x11400, s2;
	v8 =	vld [tilespmem:s4+$0x300]  }
0x191: {  	s14 =	sor.u32 s26, s3;
	s17 =	sor.u32 s26, s5;
	s19 =	sor.u32 s26, s7;
	v9 =	vld [tilespmem:s4+$0x100]  }
0x192: {  	s7 =	sor.u32 s26, s29;
	s3 =	sor.u32 s26, s28;
	v10 =	vld [tilespmem:s4+$0x200];
	s4 =	sor.u32 s26, s23  }
0x193: {  	v11 =	vld [tilespmem:s18+$0x0];
	s18 =	sor.u32 s26, s2  }
0x194: {  	v12 =	vld [tilespmem:s12+$0x0]  }
0x195: {  	v13 =	vld [tilespmem:s8+$0x0];
	s8 =	smov.u32 s3  }
0x196: {  	v14 =	vld [tilespmem:s24+$0x0];
	v7 =	vadd.f32 v7, v9  }
0x197: {  	v3 =	vadd.f32 v3, v4;
	v9 =	vld [tilespmem:s9+$0x0];
	v4 =	vadd.f32 v5, v10  }
0x198: {  	v5 =	vld [tilespmem:s22+$0x0]  }
0x199: {  	v3 =	vadd.f32 v7, v3;
	v10 =	vld [tilespmem:s11+$0x0]  }
0x19a: {  	s3 =	sor.u32 s15, s23;
	v7 =	vld [tilespmem:s10+$0x0]  }
0x19b: {  	s5 =	sor.u32 s15, s29;
	v15 =	vld [tilespmem:s3+$0x0]  }
0x19c: {  	s3 =	sor.u32 s15, s28;
	v16 =	vld [tilespmem:s5+$0x0];
	v9 =	vadd.f32 v9, v14  }
0x19d: {  	s2 =	sor.u32 s15, s2;
	v6 =	vadd.f32 v6, v8;
	v14 =	vld [tilespmem:s3+$0x0];
	v5 =	vadd.f32 v5, v11  }
0x19e: {  	v8 =	vld [tilespmem:s2+$0x0];
	v10 =	vadd.f32 v12, v10  }
0x19f: {  	v4 =	vadd.f32 v6, v4;
	v7 =	vadd.f32 v7, v13;
	_ =	sdelay $0x1  }
0x1a0: {  	v6 =	vadd.f32 v9, v10;
	v5 =	vadd.f32 v7, v5  }
0x1a1: {  	v3 =	vadd.f32 v4, v3;
	v7 =	vadd.f32 v15, v16  }
0x1a2: {  	v4 =	vadd.f32 v14, v8;
	v5 =	vadd.f32 v6, v5;
	_ =	sdelay $0x1  }
.Ltmp4:
0x1a3: {  	v4 =	vadd.f32 v7, v4;
	v3 =	vadd.f32 v5, v3;
	(pc) =	sbr.rel @p0 .LBB2_9-.Ltmp4, $3  }
0x1a4: {  	_ = 	snop  }
0x1a5: {  	v3 =	vadd.f32 v4, v3;
	_ =	sdelay $0x1  }
0x1a6: {  	[tilespmem:s30+$0x0] =	vst v3  }
0x1a7: {  	v3 =	vld [tilespmem:s19+$0x0]  }
0x1a8: {  	v4 =	vld [tilespmem:s20+$0x0]  }
0x1a9: {  	v8 =	vld [tilespmem:s17+$0x0]  }
0x1aa: {  	v10 =	vld [tilespmem:s14+$0x0]  }
0x1ab: {  	s1 =	sor.u32 s26, s1;
	v19 =	vld [tilespmem:s4+$0x0]  }
0x1ac: {  	s2 =	sor.u32 s26, s6;
	v5 =	vld [tilespmem:s1+$0x0]  }
0x1ad: {  	s22 =	sor.u32 s26, s13;
	v6 =	vld [tilespmem:s2+$0x0]  }
0x1ae: {  	s0 =	sor.u32 s26, s0;
	v7 =	vld [tilespmem:s22+$0x0]  }
0x1af: {  	s23 =	sor.u32 s26, s25;
	v9 =	vld [tilespmem:s0+$0x0]  }
0x1b0: {  	v11 =	vld [tilespmem:s23+$0x380]  }
0x1b1: {  	v12 =	vld [tilespmem:s23+$0x300]  }
0x1b2: {  	v13 =	vld [tilespmem:s23+$0x280]  }
0x1b3: {  	v14 =	vld [tilespmem:s23+$0x200]  }
0x1b4: {  	v15 =	vld [tilespmem:s23+$0x180]  }
0x1b5: {  	v16 =	vld [tilespmem:s23+$0x100]  }
0x1b6: {  	v17 =	vld [tilespmem:s23+$0x80]  }
0x1b7: {  	v18 =	vld [tilespmem:s23+$0x0]  }
0x1b8: {  	v52 =	vld [tilespmem:s7+$0x0]  }
0x1b9: {  	v54 =	vld [tilespmem:s8+$0x0];
	v3 =	vadd.f32 v3, v4;
	v5 =	vadd.f32 v5, v6  }
0x1ba: {  	v57 =	vld [tilespmem:s18+$0x0];
	v51 =	vadd.f32 v7, v8;
	v53 =	vadd.f32 v9, v10  }
0x1bb: {  	v55 =	vadd.f32 v11, v12;
	v56 =	vadd.f32 v13, v14  }
0x1bc: {  	v58 =	vadd.f32 v15, v16;
	v59 =	vadd.f32 v17, v18  }
0x1bd: {  	v3 =	vadd.f32 v3, v5;
	v4 =	vadd.f32 v51, v53  }
0x1be: {  	v60 =	vadd.f32 v55, v56;
	v61 =	vadd.f32 v58, v59  }
0x1bf: {  	v62 =	vadd.f32 v19, v52;
	v63 =	vadd.f32 v54, v57  }
0x1c0: {  	s10 =	rddreg [dreg:$0xf];
	v3 =	vadd.f32 v3, v4;
	v5 =	vadd.f32 v60, v61  }
0x1c1: {  	s10 =	sadd.s32 $0x1, s10  }
0x1c2: {  	s24 =	rddreg [dreg:$0x10];
	p0 =	sne.s32 s10, $0x10;
	v4 =	vadd.f32 v62, v63;
	v3 =	vadd.f32 v3, v5  }
.Ltmp5:
0x1c3: {  	s28 =	rddreg [dreg:$0x11];
	s0 =	sand.u32 $0x380, s24;
	(pc) =	sbr.rel @p0 .LBB2_2-.Ltmp5, $4  }
0x1c4: {  	s25 =	sand.u32 $0x780, s21;
	s29 =	rddreg [dreg:$0x5];
	s0 =	sor.u32 s0, s28;
	v3 =	vadd.f32 v4, v3  }
0x1c5: {  	s30 =	simm.s32 $0x80;
	s1 =	sor.u32 s26, s25;
	s0 =	sshrl.u32 s0, $0x3  }
0x1c6: {  	s31 =	simm.s32 $0x400;
	s3 =	simm.s32 $0x14E80;
	s0 =	sadd.s32 s29, s0;
	[tilespmem:s1+$0x14E80] =	vst v3  }
0x1c7: {  	[hbm4b:s0+s30] =	stream.strided.scatter [tilespmem:s3], [sflag:$0x4], $0x680, s31, s30, $0x38;
	[tilespmem:$0x15500] =	vst v63  }
0x1c8: {  	s0 =	simm.s32 $0x3  }
0x1c9: {  	_ =	swait.ge [sflag:s0], $0x680  }
0x1ca: {  	[sflag:s0] =	ssyncset.done $0x0  }
0x1cb: {  	s1 =	simm.s32 $0x4;
	[sflag:s0] =	ssyncadd.s32 $0xFFFFF980  }
0x1cc: {  	_ =	swait.ge [sflag:s1], $0x680  }
0x1cd: {  	s2 =	rddreg [dreg:$0xe]  }
0x1ce: {  	s31 =	rddreg [dreg:$0xd];
	s2 =	sadd.s32 $0x1, s2  }
0x1cf: {  	p0 =	sne.s32 s2, s31  }
.Ltmp6:
0x1d0: {  	_ = 	snop;
	(pc) =	sbr.rel @p0 .LBB2_1-.Ltmp6, $3  }
0x1d1: {  	_ =	sdelay $0x1  }
0x1d2: {  	[sflag:s1] =	ssyncset.done $0x0  }
0x1d3: {  	[sflag:s1] =	ssyncadd.s32 $0xFFFFF980  }
0x1d4: {  	_ =	sfence.sel $0x180000  }
0x1d5: {  	[bflag:$0x0] =	sbarrier.arrive $0xFFFF  }
0x1d6: {  	_ =	strace $0x90000047  }
0x1d7: {  	s0 =	stileid.u32;
	[bflag:$0x2] =	sbarrier.arrive $0xFFFF  }
0x1d8: {  	p0 =	sne.s32 s0, $0x0;
	s0 =	rddreg [dreg:$0x2]  }
0x1d9: {  	s0 =	sadd.s32 @!p0 $0x100000, s0  }
0x1da: {  	[sflag:s0] =	ssyncadd.tile.s32 @!p0 $0x1;
	_ =	shalt  }
.Lfunc_end2:
_tile_overlayer_lowered:
.L_overlay_start_2:
0x1db: {  	(tag) =	ssettag $0x2  }
0x1dc: {  	s0 =	rddreg [dreg:$0x0];
	s2 =	stileid.u32  }
0x1dd: {  	s1 =	rddreg [dreg:$0x1];
	p0 =	sne.s32 s2, $0x0  }
0x1de: {  	s3 =	rddreg [dreg:$0x2];
	[bflag:$0x3] =	sbarrier.arrive $0xFFFF;
	s2 =	simm.s32 @!p0 $0x1C05  }
0x1df: {  	[timem:s3], [sflag:s2] =	dma.local @!p0 [hbm:s0], s1  }
0x1e0: {  	s0 =	simm.s32 @!p0 $0x5  }
0x1e1: {  	_ =	swait.ge @!p0 [sflag:s0], s1  }
0x1e2: {  	s1 =	ssub.s32 @!p0 $0x0, s1;
	[sflag:s0] =	ssyncset.done @!p0 $0x0  }
0x1e3: {  	[sflag:s0] =	ssyncadd.s32 @!p0 s1  }
0x1e4: {  	[bflag:$0x3] =	sbarrier.arrive $0xFFFF  }
0x1e5: {  	_ =	shalt  }

</sc_bundles>
